<compile_context>
chip_gen: v7x
topology: tpu7x:2x2x1
jax: 0.10.2.dev20260603
libtpu: 0.0.44.dev20260713+nightly
codegen_flags: <defaults>
</compile_context>

<pallas_src>
import functools

import jax
import jax.numpy as jnp
from jax import lax
from jax.experimental import pallas as pl
from jax.experimental.pallas import tpu as pltpu
from jax.experimental.pallas import tpu_sc as plsc

_NUM_CLASSES = 20
_SCALE = 16.0
_IGNORE_THRESH = 0.5
_BAD_CONF_WEIGHT = 1.25
_ANCHORS = [(25.0, 50.0), (50.0, 100.0), (100.0, 200.0), (200.0, 120.0),
            (320.0, 320.0)]

_B, _NA, _NH, _NW, _MAXT = 16, 5, 32, 32, 50
_CELLS = _NH * _NW
_GRID = _NA * _CELLS
_NFIELD = 16
_TPAD = 128
_NSEC = 7
_COMB = _NSEC * _GRID


def _records_body(tgt_ref, ts_ref, out_ref):
    tgt = tgt_ref[...]
    ts = ts_ref[...]
    inv_s = 1.0 / _SCALE
    gx = tgt[:, :, 0] * inv_s
    gy = tgt[:, :, 1] * inv_s
    gh = tgt[:, :, 3] * inv_s
    gw = tgt[:, :, 4] * inv_s

    tt = lax.broadcasted_iota(jnp.int32, (_B, _MAXT), 1)
    valid = (tt < ts) & (gw != 0.0) & (gh != 0.0)

    gi = jnp.clip(gx.astype(jnp.int32), 0, _NW - 1)
    gj = jnp.clip(gy.astype(jnp.int32), 0, _NH - 1)

    a1 = (gw + 1.0) * (gh + 1.0)
    ious = []
    for aw, ah in _ANCHORS:
        aw, ah = aw / _SCALE, ah / _SCALE
        inter = (jnp.clip(jnp.minimum(gw, aw) + 1.0, 0.0, None) *
                 jnp.clip(jnp.minimum(gh, ah) + 1.0, 0.0, None))
        a2 = (aw + 1.0) * (ah + 1.0)
        ious.append(inter / (a1 + a2 - inter + 1e-16))

    best_iou = ious[0]
    best_n = jnp.zeros((_B, _MAXT), jnp.int32)
    for a in range(1, _NA):
        upd = ious[a] > best_iou
        best_n = jnp.where(upd, a, best_n)
        best_iou = jnp.where(upd, ious[a], best_iou)

    validf = valid.astype(jnp.float32)
    ign = [((iou_a > _IGNORE_THRESH) & valid).astype(jnp.float32)
           for iou_a in ious]

    aw_best = jnp.full((_B, _MAXT), _ANCHORS[0][0] / _SCALE)
    ah_best = jnp.full((_B, _MAXT), _ANCHORS[0][1] / _SCALE)
    for a in range(1, _NA):
        sel = best_n == a
        aw_best = jnp.where(sel, _ANCHORS[a][0] / _SCALE, aw_best)
        ah_best = jnp.where(sel, _ANCHORS[a][1] / _SCALE, ah_best)

    def inv_tanh(y):
        yc = jnp.clip(y, -0.999999, 0.999999)
        inner = 0.5 * jnp.log((1.0 + yc) / (1.0 - yc))
        return jnp.where(y <= -1.0, -2.0, jnp.where(y >= 1.0, 2.0, inner))

    txv = inv_tanh(gx - (gi.astype(jnp.float32) + 0.5))
    tyv = inv_tanh(gy - (gj.astype(jnp.float32) + 0.5))
    twv = jnp.log(gw / aw_best + 1e-16)
    thv = jnp.log(gh / ah_best + 1e-16)

    cidx = lax.broadcasted_iota(
        jnp.int32, (_B, _MAXT, _NUM_CLASSES), 2).astype(jnp.float32)
    label = jnp.sum(tgt[:, :, 13:13 + _NUM_CLASSES] * cidx, axis=2)

    cell = (gj * _NW + gi).astype(jnp.float32)
    key1 = (best_n * (_NSEC * _CELLS)).astype(jnp.float32) + cell

    zeros = jnp.zeros((_B, _MAXT), jnp.float32)
    fields = [validf, txv, tyv, twv, thv, label,
              ign[0], ign[1], ign[2], ign[3], ign[4],
              key1, cell, zeros, zeros, zeros]
    pad = jnp.zeros((_B, _TPAD - _MAXT), jnp.float32)
    for k, f in enumerate(fields):
        out_ref[k] = jnp.concatenate([f, pad], axis=1)


def _make_records(target, target_sizes):
    return pl.pallas_call(
        _records_body,
        out_shape=jax.ShapeDtypeStruct((_NFIELD, _B, _TPAD), jnp.float32),
    )(target, target_sizes.astype(jnp.int32).reshape(_B, 1))


def _sc_scatter_body(rec_hbm, out_hbm, rec_v, comb_v):
    cid = lax.axis_index("c")
    sid = lax.axis_index("s")

    @pl.when(cid == 0)
    def _():
        b = sid
        pltpu.sync_copy(rec_hbm.at[:, b], rec_v)

        def zero_body(i, carry):
            zero = jnp.zeros((16,), jnp.float32)
            for u in range(8):
                comb_v[pl.ds(i * 128 + u * 16, 16)] = zero
            return carry

        lax.fori_loop(0, _COMB // 128, zero_body, 0)

        lane = lax.iota(jnp.int32, 16)

        def tgt_body(t, carry):
            v = plsc.load_gather(rec_v, [lane, jnp.full((16,), t, jnp.int32)])
            valid = v[0]
            key1 = v[11].astype(jnp.int32)
            cell = v[12].astype(jnp.int32)
            validv = jnp.full((16,), valid) > 0.0
            m1 = (lane < 6) & validv
            idx1 = jnp.where(m1, lane * _CELLS + key1, 0)
            plsc.store_scatter(comb_v, [idx1], v, mask=m1)
            m2 = (lane >= 6) & (lane < 11) & (v > 0.0)
            idx2 = jnp.where(
                m2, (lane - 6) * (_NSEC * _CELLS) + 6 * _CELLS + cell, 0)
            plsc.store_scatter(comb_v, [idx2], v, mask=m2)
            return carry

        lax.fori_loop(0, _MAXT, tgt_body, 0)

        pltpu.sync_copy(comb_v, out_hbm.at[pl.ds(b * _COMB, _COMB)])


def _sc_scatter(rec):
    mesh = plsc.VectorSubcoreMesh(core_axis_name="c", subcore_axis_name="s",
                                  num_cores=2, num_subcores=16)
    fn = functools.partial(
        pl.kernel,
        out_type=jax.ShapeDtypeStruct((_B * _COMB,), jnp.float32),
        mesh=mesh,
        scratch_types=[
            pltpu.VMEM((_NFIELD, _TPAD), jnp.float32),
            pltpu.VMEM((_COMB,), jnp.float32),
        ],
        compiler_params=pltpu.CompilerParams(needs_layout_passes=False),
    )(_sc_scatter_body)
    return fn(rec)


_NROW = _B * _NA
_RSTEP = 16
_NSTEP = _NROW // _RSTEP


def _loss_body(pred_ref, grids_ref, out_ref, acc_ref):
    i = pl.program_id(0)

    @pl.when(i == 0)
    def _():
        acc_ref[...] = jnp.zeros_like(acc_ref)

    p = pred_ref[...]
    g = grids_ref[...]
    mask = g[:, 0]
    txg = g[:, 1]
    tyg = g[:, 2]
    twg = g[:, 3]
    thg = g[:, 4]
    labg = g[:, 5]
    igng = g[:, 6]

    conf = p[:, 0]
    x = p[:, 1]
    y = p[:, 2]
    h = p[:, 4]
    w = p[:, 5]

    ff = (1.0 - mask) * (1.0 - igng)

    bce = (jnp.maximum(conf, 0.0) - conf * mask +
           jnp.log1p(jnp.exp(-jnp.abs(conf))))

    cmax = p[:, 6]
    for c in range(1, _NUM_CLASSES):
        cmax = jnp.maximum(cmax, p[:, 6 + c])
    esum = jnp.zeros_like(cmax)
    picked = jnp.zeros_like(cmax)
    labi = labg.astype(jnp.int32)
    for c in range(_NUM_CLASSES):
        cls_c = p[:, 6 + c]
        esum = esum + jnp.exp(cls_c - cmax)
        picked = picked + jnp.where(labi == c, cls_c, 0.0)
    lse = cmax + jnp.log(esum)
    picked = picked - lse

    def rsum(v):
        return jnp.sum(v, axis=0)

    acc = acc_ref[...]
    terms = [mask,
             ff,
             mask * (x - txg) ** 2,
             mask * (y - tyg) ** 2,
             mask * (w - twg) ** 2,
             mask * (h - thg) ** 2,
             ff * bce,
             mask * bce,
             mask * picked]
    acc_ref[...] = acc + jnp.stack([rsum(t) for t in terms], axis=0)

    @pl.when(i == _NSTEP - 1)
    def _():
        s = jnp.sum(acc_ref[...], axis=(1, 2))
        nM = s[0]
        nF = s[1]
        total = ((s[2] + s[3] + s[4] + s[5]) / nM +
                 _BAD_CONF_WEIGHT * s[6] / nF + s[7] / nM - s[8] / nM)
        out_ref[...] = jnp.full((1, 1), total, jnp.float32)


def _dense_loss(pred_rows, grid_rows):
    return pl.pallas_call(
        _loss_body,
        grid=(_NSTEP,),
        in_specs=[
            pl.BlockSpec((_RSTEP, 6 + _NUM_CLASSES, 8, 128),
                         lambda i: (i, 0, 0, 0)),
            pl.BlockSpec((_RSTEP, _NSEC, 8, 128), lambda i: (i, 0, 0, 0)),
        ],
        out_specs=pl.BlockSpec((1, 1), lambda i: (0, 0)),
        out_shape=jax.ShapeDtypeStruct((1, 1), jnp.float32),
        scratch_shapes=[pltpu.VMEM((9, 8, 128), jnp.float32)],
    )(pred_rows, grid_rows)


def kernel(prediction, target, target_sizes):
    rec = _make_records(target.astype(jnp.float32), target_sizes)
    grids = _sc_scatter(rec)
    pred_rows = prediction.transpose(0, 1, 4, 2, 3).reshape(
        _NROW, 6 + _NUM_CLASSES, 8, _CELLS // 8)
    grid_rows = grids.reshape(_NROW, _NSEC, 8, _NH * _NW // 8)
    out = _dense_loss(pred_rows, grid_rows)
    return out[0, 0]

# --- scband reference (transcript-rebuilt; emitter-appended) ---
"""Pipeline reference for scband-yolo-loss-9285719294295 (READ-ONLY COPY).

The authoritative reference and input builder live on the scoring server;
editing this copy changes nothing except your own understanding.
"""

import jax, jax.numpy as jnp
import numpy as np
import math
from jax import lax

NUM_CLASSES = 20
SCALE = 16
IGNORE_THRESH = 0.5
BAD_CONF_WEIGHT = 1.25
ANCHORS = [(25.0, 50.0), (50.0, 100.0), (100.0, 200.0), (200.0, 120.0), (320.0, 320.0)]

def inv_tanh(y):
    if y <= -1:
        return -2.0
    if y >= 1:
        return 2.0
    return 0.5 * math.log((1.0 + y) / (1.0 - y))

def bbox_iou_np(box1, box2):
    b1_x1, b1_y1, b1_x2, b1_y2 = box1[:, 0], box1[:, 1], box1[:, 2], box1[:, 3]
    b2_x1, b2_y1, b2_x2, b2_y2 = box2[:, 0], box2[:, 1], box2[:, 2], box2[:, 3]
    ix1 = np.maximum(b1_x1, b2_x1)
    iy1 = np.maximum(b1_y1, b2_y1)
    ix2 = np.minimum(b1_x2, b2_x2)
    iy2 = np.minimum(b1_y2, b2_y2)
    inter = np.clip(ix2 - ix1 + 1.0, 0.0, None) * np.clip(iy2 - iy1 + 1.0, 0.0, None)
    a1 = (b1_x2 - b1_x1 + 1.0) * (b1_y2 - b1_y1 + 1.0)
    a2 = (b2_x2 - b2_x1 + 1.0) * (b2_y2 - b2_y1 + 1.0)
    return inter / (a1 + a2 - inter + 1e-16)

def _inv_tanh_jnp(y):
    yc = jnp.clip(y, -0.999999, 0.999999)
    inner = 0.5 * jnp.log((1.0 + yc) / (1.0 - yc))
    return jnp.where(y <= -1.0, -2.0, jnp.where(y >= 1.0, 2.0, inner))

def build_targets_jnp(target, target_sizes, anchors, nA, nC, nH, nW, ignore_thres):
    nB = target.shape[0]
    maxT = target.shape[1]
    anchors_arr = jnp.asarray(anchors, dtype=jnp.float32)
    aw = anchors_arr[:, 0]
    ah = anchors_arr[:, 1]
    mask = jnp.zeros((nB, nA, nH, nW), dtype=bool)
    conf_mask = jnp.ones((nB, nA, nH, nW), dtype=bool)
    tx = jnp.zeros((nB, nA, nH, nW), dtype=jnp.float32)
    ty = jnp.zeros((nB, nA, nH, nW), dtype=jnp.float32)
    tw = jnp.zeros((nB, nA, nH, nW), dtype=jnp.float32)
    th = jnp.zeros((nB, nA, nH, nW), dtype=jnp.float32)
    tconf = jnp.zeros((nB, nA, nH, nW), dtype=jnp.float32)
    tcls = jnp.zeros((nB, nA, nH, nW, nC), dtype=jnp.float32)

    def body(i, carry):
        mask, conf_mask, tx, ty, tw, th, tconf, tcls = carry
        b = i // maxT
        t = i % maxT
        gx = target[b, t, 0]
        gy = target[b, t, 1]
        gw = target[b, t, 4]
        gh = target[b, t, 3]
        valid = (t < target_sizes[b]) & (gw != 0.0) & (gh != 0.0)
        gi = jnp.clip(gx.astype(jnp.int32), 0, nW - 1)
        gj = jnp.clip(gy.astype(jnp.int32), 0, nH - 1)
        inter = jnp.clip(jnp.minimum(gw, aw) + 1.0, 0.0, None) * jnp.clip(jnp.minimum(gh, ah) + 1.0, 0.0, None)
        a1 = (gw + 1.0) * (gh + 1.0)
        a2 = (aw + 1.0) * (ah + 1.0)
        anch_ious = inter / (a1 + a2 - inter + 1e-16)
        ignore = (anch_ious > ignore_thres) & valid
        col = conf_mask[b, :, gj, gi]
        conf_mask = conf_mask.at[b, :, gj, gi].set(jnp.where(ignore, False, col))
        best_n = jnp.argmax(anch_ious).astype(jnp.int32)

        def put(arr, val):
            cur = arr[b, best_n, gj, gi]
            return arr.at[b, best_n, gj, gi].set(jnp.where(valid, val, cur))

        mask = put(mask, True)
        conf_mask = put(conf_mask, True)
        tx = put(tx, _inv_tanh_jnp(gx - (gi.astype(jnp.float32) + 0.5)))
        ty = put(ty, _inv_tanh_jnp(gy - (gj.astype(jnp.float32) + 0.5)))
        tw = put(tw, jnp.log(gw / aw[best_n] + 1e-16))
        th = put(th, jnp.log(gh / ah[best_n] + 1e-16))
        tconf = put(tconf, 1.0)
        cur_cls = tcls[b, best_n, gj, gi]
        tcls = tcls.at[b, best_n, gj, gi].set(jnp.where(valid, target[b, t, 13:], cur_cls))
        return (mask, conf_mask, tx, ty, tw, th, tconf, tcls)

    carry = (mask, conf_mask, tx, ty, tw, th, tconf, tcls)
    carry = lax.fori_loop(0, nB * maxT, body, carry)
    return carry

def bce_logits_mean(logits, targets):
    return jnp.mean(jnp.clip(logits, 0.0, None) - logits * targets + jnp.log1p(jnp.exp(-jnp.abs(logits))))

def setup_inputs(seed: int = 0):
    key = jax.random.key(seed)
    B, nA, nH, nW, nC, maxT = 16, 5, 32, 32, 20, 50
    prediction = 0.5 * jax.random.normal(key, (B, nA, nH, nW, 6 + nC), dtype=jnp.float32)
    rng = np.random.default_rng(0)
    tgt = np.zeros((B, maxT, 13 + nC), dtype=np.float32)
    tgt[:, :, 0] = rng.uniform(0.0, nW * SCALE, (B, maxT))
    tgt[:, :, 1] = rng.uniform(0.0, nH * SCALE, (B, maxT))
    tgt[:, :, 3] = rng.uniform(8.0, 160.0, (B, maxT))
    tgt[:, :, 4] = rng.uniform(8.0, 320.0, (B, maxT))
    cls_ids = rng.integers(0, nC, (B, maxT))
    tgt[np.arange(B)[:, None], np.arange(maxT)[None, :], 13 + cls_ids] = 1.0
    target = jnp.asarray(tgt)
    target_sizes = jnp.asarray(rng.integers(10, maxT + 1, (B,)), dtype=jnp.int32)
    return {'prediction': prediction, 'target': target, 'target_sizes': target_sizes}

def _prepare(prediction, target, target_sizes):
    nA = len(ANCHORS)
    nH, nW = prediction.shape[2], prediction.shape[3]
    scaled_anchors = [(a[0] / SCALE, a[1] / SCALE) for a in ANCHORS]
    idx = jnp.asarray([0, 1, 3, 4])
    target_scaled = target.astype(jnp.float32).at[:, :, idx].divide(SCALE)
    return build_targets_jnp(target_scaled, target_sizes, scaled_anchors, nA, NUM_CLASSES, nH, nW, IGNORE_THRESH)

def _loss(prediction, mask, conf_mask, tx, ty, tw, th, tconf, tcls):
    conf_mask_false = conf_mask & (~mask)
    mf = mask.astype(jnp.float32)
    ff = conf_mask_false.astype(jnp.float32)
    nM = jnp.sum(mf)
    nF = jnp.sum(ff)
    x = prediction[..., 1]
    y = prediction[..., 2]
    w = prediction[..., 5]
    h = prediction[..., 4]
    pred_conf = prediction[..., 0]
    pred_cls = prediction[..., 6:]
    loss_x = jnp.sum(mf * (x - tx) ** 2) / nM
    loss_y = jnp.sum(mf * (y - ty) ** 2) / nM
    loss_w = jnp.sum(mf * (w - tw) ** 2) / nM
    loss_h = jnp.sum(mf * (h - th) ** 2) / nM
    bce_elem = jnp.clip(pred_conf, 0.0, None) - pred_conf * tconf + jnp.log1p(jnp.exp(-jnp.abs(pred_conf)))
    loss_conf = BAD_CONF_WEIGHT * (jnp.sum(ff * bce_elem) / nF) + jnp.sum(mf * bce_elem) / nM
    labels = jnp.argmax(tcls, axis=-1)
    logp = jax.nn.log_softmax(pred_cls, axis=-1)
    picked = jnp.take_along_axis(logp, labels[..., None], axis=-1)[..., 0]
    loss_cls = -jnp.sum(mf * picked) / nM
    return loss_x + loss_y + loss_w + loss_h + loss_conf + loss_cls

def reference(prediction, target, target_sizes):
    tgts = _prepare(prediction, target, target_sizes)
    return _loss(prediction, *tgts)

if __name__ == "__main__":
    import jax
    _d = setup_inputs()
    print(jax.jit(kernel)(*tuple(_d.values())))

</pallas_src>

<mosaic_0001>
#map = affine_map<(d0, d1) -> (0, 0, 0)>
#map1 = affine_map<(d0, d1) -> (0)>
module attributes {stable_mosaic.version = 14 : i64} {
  func.func @_sc_scatter_body(%arg0: i32, %arg1: i32, %arg2: memref<16x16x128xf32, #tpu.memory_space<hbm>>, %arg3: memref<573440xf32, #tpu.memory_space<hbm>>, %arg4: memref<16x128xf32, #tpu.memory_space<vmem>>, %arg5: memref<35840xf32, #tpu.memory_space<vmem>>) attributes {dimension_semantics = [#tpu.dimension_semantics<core_parallel>, #tpu.dimension_semantics<subcore_parallel>], iteration_bounds = array<i64: 2, 16>, scalar_prefetch = 0 : i64, scratch_operands = 2 : i64, tpu.core_type = #tpu.core_type<sc_vector_subcore>, window_params = [{transform_indices = #map}, {transform_indices = #map1}]} {
    %eq3A = arith.constant 0 : i32
    %eq3A_0 = arith.cmpi eq, %arg0, %eq3A : i32
    %convert_element_type3A = arith.extui %eq3A_0 : i1 to i32
    %cond3A = arith.constant 0 : i32
    %cond3A_1 = arith.cmpi ne, %convert_element_type3A, %cond3A : i32
    scf.if %cond3A_1 {
      "tpu.region"() ({
        %run_scoped3A = tpu.sem_alloc : memref<!tpu.dma_semaphore, #tpu.memory_space<semaphore_mem>>
        %dma_start3A = arith.constant 0 : i32
        %dma_start3A_14 = arith.constant 0 : i32
        %dma_start3A_15 = tpu.memref_slice %arg2[%dma_start3A, %arg1, %dma_start3A_14] : memref<16x16x128xf32, #tpu.memory_space<hbm>> -> memref<16x1x128xf32, #tpu.memory_space<hbm>>
        %dma_start3A_16 = tpu.memref_squeeze %dma_start3A_15 : memref<16x1x128xf32, #tpu.memory_space<hbm>> -> memref<16x128xf32, #tpu.memory_space<hbm>>
        %dma_start3A_17 = arith.constant 0 : i32
        %dma_start3A_18 = arith.constant 0 : i32
        %dma_start3A_19 = tpu.memref_slice %arg2[%dma_start3A_17, %arg1, %dma_start3A_18] : memref<16x16x128xf32, #tpu.memory_space<hbm>> -> memref<16x1x128xf32, #tpu.memory_space<hbm>>
        %dma_start3A_20 = tpu.memref_squeeze %dma_start3A_19 : memref<16x1x128xf32, #tpu.memory_space<hbm>> -> memref<16x128xf32, #tpu.memory_space<hbm>>
        tpu.enqueue_dma source(%dma_start3A_20 : memref<16x128xf32, #tpu.memory_space<hbm>>) target(%arg4 : memref<16x128xf32, #tpu.memory_space<vmem>>) target_semaphore(%run_scoped3A : memref<!tpu.dma_semaphore, #tpu.memory_space<semaphore_mem>>)
        %dma_wait3A = arith.constant 0 : i32
        %dma_wait3A_21 = arith.constant 0 : i32
        %dma_wait3A_22 = tpu.memref_slice %arg2[%dma_wait3A, %arg1, %dma_wait3A_21] : memref<16x16x128xf32, #tpu.memory_space<hbm>> -> memref<16x1x128xf32, #tpu.memory_space<hbm>>
        %dma_wait3A_23 = tpu.memref_squeeze %dma_wait3A_22 : memref<16x1x128xf32, #tpu.memory_space<hbm>> -> memref<16x128xf32, #tpu.memory_space<hbm>>
        %dma_wait3A_24 = arith.constant 0 : i32
        %dma_wait3A_25 = arith.constant 0 : i32
        %dma_wait3A_26 = tpu.memref_slice %arg2[%dma_wait3A_24, %arg1, %dma_wait3A_25] : memref<16x16x128xf32, #tpu.memory_space<hbm>> -> memref<16x1x128xf32, #tpu.memory_space<hbm>>
        %dma_wait3A_27 = tpu.memref_squeeze %dma_wait3A_26 : memref<16x1x128xf32, #tpu.memory_space<hbm>> -> memref<16x128xf32, #tpu.memory_space<hbm>>
        tpu.wait_dma2 semaphore(%run_scoped3A : memref<!tpu.dma_semaphore, #tpu.memory_space<semaphore_mem>>) src(%dma_wait3A_27 : memref<16x128xf32, #tpu.memory_space<hbm>>) dst(%arg4 : memref<16x128xf32, #tpu.memory_space<vmem>>)
        tpu.yield
      }) : () -> ()
      %scan3A = arith.constant 0 : i32
      %scan3A_2 = arith.constant 0 : i32
      %scan3A_3 = arith.constant 280 : i32
      %scan3A_4 = arith.addi %scan3A_2, %scan3A_3 : i32
      %scan3A_5 = arith.constant 1 : i32
      scf.for %scan3A_14 = %scan3A_2 to %scan3A_4 step %scan3A_5  : i32 {
        %broadcast_in_dim3A = arith.constant 0.000000e+00 : f32
        %broadcast_in_dim3A_15 = vector.broadcast %broadcast_in_dim3A : f32 to vector<16xf32>
        %mul3A_16 = arith.constant 128 : i32
        %mul3A_17 = arith.muli %scan3A_14, %mul3A_16 : i32
        %add3A = arith.constant 0 : i32
        %add3A_18 = arith.addi %mul3A_17, %add3A : i32
        %swap3A = arith.index_cast %add3A_18 : i32 to index
        %swap3A_19 = tpu.vector_load %arg5[%swap3A] {strides = array<i32>} : memref<35840xf32, #tpu.memory_space<vmem>>, vector<16xf32>,
        tpu.vector_store %arg5[%swap3A], %broadcast_in_dim3A_15 {strides = array<i32>} : memref<35840xf32, #tpu.memory_space<vmem>>, vector<16xf32>,
        %mul3A_20 = arith.constant 128 : i32
        %mul3A_21 = arith.muli %scan3A_14, %mul3A_20 : i32
        %add3A_22 = arith.constant 16 : i32
        %add3A_23 = arith.addi %mul3A_21, %add3A_22 : i32
        %swap3A_24 = arith.index_cast %add3A_23 : i32 to index
        %swap3A_25 = tpu.vector_load %arg5[%swap3A_24] {strides = array<i32>} : memref<35840xf32, #tpu.memory_space<vmem>>, vector<16xf32>,
        tpu.vector_store %arg5[%swap3A_24], %broadcast_in_dim3A_15 {strides = array<i32>} : memref<35840xf32, #tpu.memory_space<vmem>>, vector<16xf32>,
        %mul3A_26 = arith.constant 128 : i32
        %mul3A_27 = arith.muli %scan3A_14, %mul3A_26 : i32
        %add3A_28 = arith.constant 32 : i32
        %add3A_29 = arith.addi %mul3A_27, %add3A_28 : i32
        %swap3A_30 = arith.index_cast %add3A_29 : i32 to index
        %swap3A_31 = tpu.vector_load %arg5[%swap3A_30] {strides = array<i32>} : memref<35840xf32, #tpu.memory_space<vmem>>, vector<16xf32>,
        tpu.vector_store %arg5[%swap3A_30], %broadcast_in_dim3A_15 {strides = array<i32>} : memref<35840xf32, #tpu.memory_space<vmem>>, vector<16xf32>,
        %mul3A_32 = arith.constant 128 : i32
        %mul3A_33 = arith.muli %scan3A_14, %mul3A_32 : i32
        %add3A_34 = arith.constant 48 : i32
        %add3A_35 = arith.addi %mul3A_33, %add3A_34 : i32
        %swap3A_36 = arith.index_cast %add3A_35 : i32 to index
        %swap3A_37 = tpu.vector_load %arg5[%swap3A_36] {strides = array<i32>} : memref<35840xf32, #tpu.memory_space<vmem>>, vector<16xf32>,
        tpu.vector_store %arg5[%swap3A_36], %broadcast_in_dim3A_15 {strides = array<i32>} : memref<35840xf32, #tpu.memory_space<vmem>>, vector<16xf32>,
        %mul3A_38 = arith.constant 128 : i32
        %mul3A_39 = arith.muli %scan3A_14, %mul3A_38 : i32
        %add3A_40 = arith.constant 64 : i32
        %add3A_41 = arith.addi %mul3A_39, %add3A_40 : i32
        %swap3A_42 = arith.index_cast %add3A_41 : i32 to index
        %swap3A_43 = tpu.vector_load %arg5[%swap3A_42] {strides = array<i32>} : memref<35840xf32, #tpu.memory_space<vmem>>, vector<16xf32>,
        tpu.vector_store %arg5[%swap3A_42], %broadcast_in_dim3A_15 {strides = array<i32>} : memref<35840xf32, #tpu.memory_space<vmem>>, vector<16xf32>,
        %mul3A_44 = arith.constant 128 : i32
        %mul3A_45 = arith.muli %scan3A_14, %mul3A_44 : i32
        %add3A_46 = arith.constant 80 : i32
        %add3A_47 = arith.addi %mul3A_45, %add3A_46 : i32
        %swap3A_48 = arith.index_cast %add3A_47 : i32 to index
        %swap3A_49 = tpu.vector_load %arg5[%swap3A_48] {strides = array<i32>} : memref<35840xf32, #tpu.memory_space<vmem>>, vector<16xf32>,
        tpu.vector_store %arg5[%swap3A_48], %broadcast_in_dim3A_15 {strides = array<i32>} : memref<35840xf32, #tpu.memory_space<vmem>>, vector<16xf32>,
        %mul3A_50 = arith.constant 128 : i32
        %mul3A_51 = arith.muli %scan3A_14, %mul3A_50 : i32
        %add3A_52 = arith.constant 96 : i32
        %add3A_53 = arith.addi %mul3A_51, %add3A_52 : i32
        %swap3A_54 = arith.index_cast %add3A_53 : i32 to index
        %swap3A_55 = tpu.vector_load %arg5[%swap3A_54] {strides = array<i32>} : memref<35840xf32, #tpu.memory_space<vmem>>, vector<16xf32>,
        tpu.vector_store %arg5[%swap3A_54], %broadcast_in_dim3A_15 {strides = array<i32>} : memref<35840xf32, #tpu.memory_space<vmem>>, vector<16xf32>,
        %mul3A_56 = arith.constant 128 : i32
        %mul3A_57 = arith.muli %scan3A_14, %mul3A_56 : i32
        %add3A_58 = arith.constant 112 : i32
        %add3A_59 = arith.addi %mul3A_57, %add3A_58 : i32
        %swap3A_60 = arith.index_cast %add3A_59 : i32 to index
        %swap3A_61 = tpu.vector_load %arg5[%swap3A_60] {strides = array<i32>} : memref<35840xf32, #tpu.memory_space<vmem>>, vector<16xf32>,
        tpu.vector_store %arg5[%swap3A_60], %broadcast_in_dim3A_15 {strides = array<i32>} : memref<35840xf32, #tpu.memory_space<vmem>>, vector<16xf32>,
      }
      %scan3A_6 = arith.constant 280 : i32
      %iota3A = tpu.iota {dimensions = array<i32: 0>} : vector<16xi32>
      %scan3A_7 = arith.constant 0 : i32
      %scan3A_8 = arith.constant 0 : i32
      %scan3A_9 = arith.constant 50 : i32
      %scan3A_10 = arith.addi %scan3A_8, %scan3A_9 : i32
      %scan3A_11 = arith.constant 1 : i32
      scf.for %scan3A_14 = %scan3A_8 to %scan3A_10 step %scan3A_11  : i32 {
        %broadcast_in_dim3A = vector.broadcast %scan3A_14 : i32 to vector<16xi32>
        %gather3A = tpu.vector_load_idx %arg4[%iota3A, %broadcast_in_dim3A] : memref<16x128xf32, #tpu.memory_space<vmem>>[vector<16xi32>, vector<16xi32>], vector<16xf32>,
        %slice3A = vector.extract_strided_slice %gather3A {offsets = [0], sizes = [1], strides = [1]} : vector<16xf32> to vector<1xf32>
        %squeeze3A = vector.extract %slice3A[0] : f32 from vector<1xf32>
        %slice3A_15 = vector.extract_strided_slice %gather3A {offsets = [11], sizes = [1], strides = [1]} : vector<16xf32> to vector<1xf32>
        %squeeze3A_16 = vector.extract %slice3A_15[0] : f32 from vector<1xf32>
        %convert_element_type3A_17 = arith.fptosi %squeeze3A_16 : f32 to i32
        %slice3A_18 = vector.extract_strided_slice %gather3A {offsets = [12], sizes = [1], strides = [1]} : vector<16xf32> to vector<1xf32>
        %squeeze3A_19 = vector.extract %slice3A_18[0] : f32 from vector<1xf32>
        %convert_element_type3A_20 = arith.fptosi %squeeze3A_19 : f32 to i32
        %broadcast_in_dim3A_21 = vector.broadcast %squeeze3A : f32 to vector<16xf32>
        %gt3A = arith.constant 0.000000e+00 : f32
        %gt3A_22 = vector.broadcast %gt3A : f32 to vector<16xf32>
        %gt3A_23 = arith.cmpf ogt, %broadcast_in_dim3A_21, %gt3A_22 : vector<16xf32>
        %lt3A = arith.constant 6 : i32
        %lt3A_24 = vector.broadcast %lt3A : i32 to vector<16xi32>
        %lt3A_25 = arith.cmpi slt, %iota3A, %lt3A_24 : vector<16xi32>
        %and3A = arith.andi %lt3A_25, %gt3A_23 : vector<16xi1>
        %mul3A_26 = arith.constant 1024 : i32
        %mul3A_27 = vector.broadcast %mul3A_26 : i32 to vector<16xi32>
        %mul3A_28 = arith.muli %iota3A, %mul3A_27 : vector<16xi32>
        %add3A = vector.broadcast %convert_element_type3A_17 : i32 to vector<16xi32>
        %add3A_29 = arith.addi %mul3A_28, %add3A : vector<16xi32>
        %jit3A = arith.constant 0 : i32
        %broadcast_in_dim3A_30 = vector.broadcast %jit3A : i32 to vector<16xi32>
        %select_n3A = arith.select %and3A, %add3A_29, %broadcast_in_dim3A_30 : vector<16xi1>, vector<16xi32>
        tpu.vector_store_idx %arg5[%select_n3A], %gather3A masked %and3A : memref<35840xf32, #tpu.memory_space<vmem>>[vector<16xi32>], vector<16xf32>, vector<16xi1>
        %ge3A = arith.constant 6 : i32
        %ge3A_31 = vector.broadcast %ge3A : i32 to vector<16xi32>
        %ge3A_32 = arith.cmpi sge, %iota3A, %ge3A_31 : vector<16xi32>
        %lt3A_33 = arith.constant 11 : i32
        %lt3A_34 = vector.broadcast %lt3A_33 : i32 to vector<16xi32>
        %lt3A_35 = arith.cmpi slt, %iota3A, %lt3A_34 : vector<16xi32>
        %and3A_36 = arith.andi %ge3A_32, %lt3A_35 : vector<16xi1>
        %gt3A_37 = arith.constant 0.000000e+00 : f32
        %gt3A_38 = vector.broadcast %gt3A_37 : f32 to vector<16xf32>
        %gt3A_39 = arith.cmpf ogt, %gather3A, %gt3A_38 : vector<16xf32>
        %and3A_40 = arith.andi %and3A_36, %gt3A_39 : vector<16xi1>
        %sub3A = arith.constant 6 : i32
        %sub3A_41 = vector.broadcast %sub3A : i32 to vector<16xi32>
        %sub3A_42 = arith.subi %iota3A, %sub3A_41 : vector<16xi32>
        %mul3A_43 = arith.constant 7168 : i32
        %mul3A_44 = vector.broadcast %mul3A_43 : i32 to vector<16xi32>
        %mul3A_45 = arith.muli %sub3A_42, %mul3A_44 : vector<16xi32>
        %add3A_46 = arith.constant 6144 : i32
        %add3A_47 = vector.broadcast %add3A_46 : i32 to vector<16xi32>
        %add3A_48 = arith.addi %mul3A_45, %add3A_47 : vector<16xi32>
        %add3A_49 = vector.broadcast %convert_element_type3A_20 : i32 to vector<16xi32>
        %add3A_50 = arith.addi %add3A_48, %add3A_49 : vector<16xi32>
        %jit3A_51 = arith.constant 0 : i32
        %broadcast_in_dim3A_52 = vector.broadcast %jit3A_51 : i32 to vector<16xi32>
        %select_n3A_53 = arith.select %and3A_40, %add3A_50, %broadcast_in_dim3A_52 : vector<16xi1>, vector<16xi32>
        tpu.vector_store_idx %arg5[%select_n3A_53], %gather3A masked %and3A_40 : memref<35840xf32, #tpu.memory_space<vmem>>[vector<16xi32>], vector<16xf32>, vector<16xi1>
      }
      %scan3A_12 = arith.constant 50 : i32
      %mul3A = arith.constant 35840 : i32
      %mul3A_13 = arith.muli %arg1, %mul3A : i32
      "tpu.region"() ({
        %run_scoped3A = tpu.sem_alloc : memref<!tpu.dma_semaphore, #tpu.memory_space<semaphore_mem>>
        %dma_start3A = tpu.memref_slice %arg3[%mul3A_13] : memref<573440xf32, #tpu.memory_space<hbm>> -> memref<35840xf32, #tpu.memory_space<hbm>>
        %dma_start3A_14 = tpu.memref_slice %arg3[%mul3A_13] : memref<573440xf32, #tpu.memory_space<hbm>> -> memref<35840xf32, #tpu.memory_space<hbm>>
        tpu.enqueue_dma source(%arg5 : memref<35840xf32, #tpu.memory_space<vmem>>) target(%dma_start3A_14 : memref<35840xf32, #tpu.memory_space<hbm>>) target_semaphore(%run_scoped3A : memref<!tpu.dma_semaphore, #tpu.memory_space<semaphore_mem>>)
        %dma_wait3A = tpu.memref_slice %arg3[%mul3A_13] : memref<573440xf32, #tpu.memory_space<hbm>> -> memref<35840xf32, #tpu.memory_space<hbm>>
        %dma_wait3A_15 = tpu.memref_slice %arg3[%mul3A_13] : memref<573440xf32, #tpu.memory_space<hbm>> -> memref<35840xf32, #tpu.memory_space<hbm>>
        tpu.wait_dma2 semaphore(%run_scoped3A : memref<!tpu.dma_semaphore, #tpu.memory_space<semaphore_mem>>) src(%arg5 : memref<35840xf32, #tpu.memory_space<vmem>>) dst(%dma_wait3A_15 : memref<35840xf32, #tpu.memory_space<hbm>>)
        tpu.yield
      }) : () -> ()
    } else {
    }
    return
  }
}

module attributes {stable_mosaic.version = 14 : i64} {
  func.func @_loss_body(%arg0: i32, %arg1: memref<16x26x8x128xf32, #tpu.memory_space<vmem>>, %arg2: memref<16x7x8x128xf32, #tpu.memory_space<vmem>>, %arg3: memref<1x1xf32, #tpu.memory_space<vmem>>, %arg4: memref<9x8x128xf32, #tpu.memory_space<vmem>>) attributes {dimension_semantics = [#tpu.dimension_semantics<arbitrary>], iteration_bounds = array<i64: 5>, scalar_prefetch = 0 : i64, scratch_operands = 1 : i64, tpu.core_type = #tpu.core_type<tc>, window_params = [{transform_indices = @transform_0, window_bounds = array<i64: 16, 26, 8, 128>}, {transform_indices = @transform_1, window_bounds = array<i64: 16, 7, 8, 128>}, {pipeline_mode = #tpu.pipeline_mode<synchronous>, transform_indices = @transform_2, window_bounds = array<i64: 1, 1>}]} {
    %eq3A = arith.constant 0 : i32
    %eq3A_0 = arith.cmpi eq, %arg0, %eq3A : i32
    %convert_element_type3A = arith.extui %eq3A_0 : i1 to i32
    %cond3A = arith.constant 0 : i32
    %cond3A_1 = arith.cmpi ne, %convert_element_type3A, %cond3A : i32
    scf.if %cond3A_1 {
      %broadcast_in_dim3A_400 = arith.constant 0.000000e+00 : f32
      %broadcast_in_dim3A_401 = vector.broadcast %broadcast_in_dim3A_400 : f32 to vector<9x8x128xf32>
      %swap3A_402 = arith.constant 0 : index
      %swap3A_403 = arith.constant 0 : index
      %swap3A_404 = arith.constant 0 : index
      %swap3A_405 = vector.load %arg4[%swap3A_402, %swap3A_403, %swap3A_404] : memref<9x8x128xf32, #tpu.memory_space<vmem>>, vector<9x8x128xf32>
      tpu.vector_store %arg4[%swap3A_402, %swap3A_403, %swap3A_404], %broadcast_in_dim3A_401 {strides = array<i32>} : memref<9x8x128xf32, #tpu.memory_space<vmem>>, vector<9x8x128xf32>,
    } else {
    }
    %get3A = arith.constant 0 : index
    %get3A_2 = arith.constant 0 : index
    %get3A_3 = arith.constant 0 : index
    %get3A_4 = arith.constant 0 : index
    %get3A_5 = vector.load %arg1[%get3A, %get3A_2, %get3A_3, %get3A_4] : memref<16x26x8x128xf32, #tpu.memory_space<vmem>>, vector<16x26x8x128xf32>
    %get3A_6 = arith.constant 0 : index
    %get3A_7 = arith.constant 0 : index
    %get3A_8 = arith.constant 0 : index
    %get3A_9 = arith.constant 0 : index
    %get3A_10 = vector.load %arg2[%get3A_6, %get3A_7, %get3A_8, %get3A_9] : memref<16x7x8x128xf32, #tpu.memory_space<vmem>>, vector<16x7x8x128xf32>
    %slice3A = vector.extract_strided_slice %get3A_10 {offsets = [0, 0, 0, 0], sizes = [16, 1, 8, 128], strides = [1, 1, 1, 1]} : vector<16x7x8x128xf32> to vector<16x1x8x128xf32>
    %squeeze3A = vector.shape_cast %slice3A : vector<16x1x8x128xf32> to vector<16x8x128xf32>
    %slice3A_11 = vector.extract_strided_slice %get3A_10 {offsets = [0, 1, 0, 0], sizes = [16, 1, 8, 128], strides = [1, 1, 1, 1]} : vector<16x7x8x128xf32> to vector<16x1x8x128xf32>
    %squeeze3A_12 = vector.shape_cast %slice3A_11 : vector<16x1x8x128xf32> to vector<16x8x128xf32>
    %slice3A_13 = vector.extract_strided_slice %get3A_10 {offsets = [0, 2, 0, 0], sizes = [16, 1, 8, 128], strides = [1, 1, 1, 1]} : vector<16x7x8x128xf32> to vector<16x1x8x128xf32>
    %squeeze3A_14 = vector.shape_cast %slice3A_13 : vector<16x1x8x128xf32> to vector<16x8x128xf32>
    %slice3A_15 = vector.extract_strided_slice %get3A_10 {offsets = [0, 3, 0, 0], sizes = [16, 1, 8, 128], strides = [1, 1, 1, 1]} : vector<16x7x8x128xf32> to vector<16x1x8x128xf32>
    %squeeze3A_16 = vector.shape_cast %slice3A_15 : vector<16x1x8x128xf32> to vector<16x8x128xf32>
    %slice3A_17 = vector.extract_strided_slice %get3A_10 {offsets = [0, 4, 0, 0], sizes = [16, 1, 8, 128], strides = [1, 1, 1, 1]} : vector<16x7x8x128xf32> to vector<16x1x8x128xf32>
    %squeeze3A_18 = vector.shape_cast %slice3A_17 : vector<16x1x8x128xf32> to vector<16x8x128xf32>
    %slice3A_19 = vector.extract_strided_slice %get3A_10 {offsets = [0, 5, 0, 0], sizes = [16, 1, 8, 128], strides = [1, 1, 1, 1]} : vector<16x7x8x128xf32> to vector<16x1x8x128xf32>
    %squeeze3A_20 = vector.shape_cast %slice3A_19 : vector<16x1x8x128xf32> to vector<16x8x128xf32>
    %slice3A_21 = vector.extract_strided_slice %get3A_10 {offsets = [0, 6, 0, 0], sizes = [16, 1, 8, 128], strides = [1, 1, 1, 1]} : vector<16x7x8x128xf32> to vector<16x1x8x128xf32>
    %squeeze3A_22 = vector.shape_cast %slice3A_21 : vector<16x1x8x128xf32> to vector<16x8x128xf32>
    %slice3A_23 = vector.extract_strided_slice %get3A_5 {offsets = [0, 0, 0, 0], sizes = [16, 1, 8, 128], strides = [1, 1, 1, 1]} : vector<16x26x8x128xf32> to vector<16x1x8x128xf32>
    %squeeze3A_24 = vector.shape_cast %slice3A_23 : vector<16x1x8x128xf32> to vector<16x8x128xf32>
    %slice3A_25 = vector.extract_strided_slice %get3A_5 {offsets = [0, 1, 0, 0], sizes = [16, 1, 8, 128], strides = [1, 1, 1, 1]} : vector<16x26x8x128xf32> to vector<16x1x8x128xf32>
    %squeeze3A_26 = vector.shape_cast %slice3A_25 : vector<16x1x8x128xf32> to vector<16x8x128xf32>
    %slice3A_27 = vector.extract_strided_slice %get3A_5 {offsets = [0, 2, 0, 0], sizes = [16, 1, 8, 128], strides = [1, 1, 1, 1]} : vector<16x26x8x128xf32> to vector<16x1x8x128xf32>
    %squeeze3A_28 = vector.shape_cast %slice3A_27 : vector<16x1x8x128xf32> to vector<16x8x128xf32>
    %slice3A_29 = vector.extract_strided_slice %get3A_5 {offsets = [0, 4, 0, 0], sizes = [16, 1, 8, 128], strides = [1, 1, 1, 1]} : vector<16x26x8x128xf32> to vector<16x1x8x128xf32>
    %squeeze3A_30 = vector.shape_cast %slice3A_29 : vector<16x1x8x128xf32> to vector<16x8x128xf32>
    %slice3A_31 = vector.extract_strided_slice %get3A_5 {offsets = [0, 5, 0, 0], sizes = [16, 1, 8, 128], strides = [1, 1, 1, 1]} : vector<16x26x8x128xf32> to vector<16x1x8x128xf32>
    %squeeze3A_32 = vector.shape_cast %slice3A_31 : vector<16x1x8x128xf32> to vector<16x8x128xf32>
    %sub3A = arith.constant 1.000000e+00 : f32
    %sub3A_33 = vector.broadcast %sub3A : f32 to vector<16x8x128xf32>
    %sub3A_34 = arith.subf %sub3A_33, %squeeze3A : vector<16x8x128xf32>
    %sub3A_35 = arith.constant 1.000000e+00 : f32
    %sub3A_36 = vector.broadcast %sub3A_35 : f32 to vector<16x8x128xf32>
    %sub3A_37 = arith.subf %sub3A_36, %squeeze3A_22 : vector<16x8x128xf32>
    %mul3A = arith.mulf %sub3A_34, %sub3A_37 : vector<16x8x128xf32>
    %max3A = arith.constant 0.000000e+00 : f32
    %max3A_38 = vector.broadcast %max3A : f32 to vector<16x8x128xf32>
    %max3A_39 = arith.maximumf %squeeze3A_24, %max3A_38 : vector<16x8x128xf32>
    %mul3A_40 = arith.mulf %squeeze3A_24, %squeeze3A : vector<16x8x128xf32>
    %sub3A_41 = arith.subf %max3A_39, %mul3A_40 : vector<16x8x128xf32>
    %abs3A = math.absf %squeeze3A_24 : vector<16x8x128xf32>
    %neg3A = arith.constant 0.000000e+00 : f32
    %neg3A_42 = vector.broadcast %neg3A : f32 to vector<16x8x128xf32>
    %neg3A_43 = arith.subf %neg3A_42, %abs3A : vector<16x8x128xf32>
    %exp3A = math.exp %neg3A_43 : vector<16x8x128xf32>
    %log1p3A = math.log1p %exp3A : vector<16x8x128xf32>
    %add3A = arith.addf %sub3A_41, %log1p3A : vector<16x8x128xf32>
    %slice3A_44 = vector.extract_strided_slice %get3A_5 {offsets = [0, 6, 0, 0], sizes = [16, 1, 8, 128], strides = [1, 1, 1, 1]} : vector<16x26x8x128xf32> to vector<16x1x8x128xf32>
    %squeeze3A_45 = vector.shape_cast %slice3A_44 : vector<16x1x8x128xf32> to vector<16x8x128xf32>
    %slice3A_46 = vector.extract_strided_slice %get3A_5 {offsets = [0, 7, 0, 0], sizes = [16, 1, 8, 128], strides = [1, 1, 1, 1]} : vector<16x26x8x128xf32> to vector<16x1x8x128xf32>
    %squeeze3A_47 = vector.shape_cast %slice3A_46 : vector<16x1x8x128xf32> to vector<16x8x128xf32>
    %max3A_48 = arith.maximumf %squeeze3A_45, %squeeze3A_47 : vector<16x8x128xf32>
    %slice3A_49 = vector.extract_strided_slice %get3A_5 {offsets = [0, 8, 0, 0], sizes = [16, 1, 8, 128], strides = [1, 1, 1, 1]} : vector<16x26x8x128xf32> to vector<16x1x8x128xf32>
    %squeeze3A_50 = vector.shape_cast %slice3A_49 : vector<16x1x8x128xf32> to vector<16x8x128xf32>
    %max3A_51 = arith.maximumf %max3A_48, %squeeze3A_50 : vector<16x8x128xf32>
    %slice3A_52 = vector.extract_strided_slice %get3A_5 {offsets = [0, 9, 0, 0], sizes = [16, 1, 8, 128], strides = [1, 1, 1, 1]} : vector<16x26x8x128xf32> to vector<16x1x8x128xf32>
    %squeeze3A_53 = vector.shape_cast %slice3A_52 : vector<16x1x8x128xf32> to vector<16x8x128xf32>
    %max3A_54 = arith.maximumf %max3A_51, %squeeze3A_53 : vector<16x8x128xf32>
    %slice3A_55 = vector.extract_strided_slice %get3A_5 {offsets = [0, 10, 0, 0], sizes = [16, 1, 8, 128], strides = [1, 1, 1, 1]} : vector<16x26x8x128xf32> to vector<16x1x8x128xf32>
    %squeeze3A_56 = vector.shape_cast %slice3A_55 : vector<16x1x8x128xf32> to vector<16x8x128xf32>
    %max3A_57 = arith.maximumf %max3A_54, %squeeze3A_56 : vector<16x8x128xf32>
    %slice3A_58 = vector.extract_strided_slice %get3A_5 {offsets = [0, 11, 0, 0], sizes = [16, 1, 8, 128], strides = [1, 1, 1, 1]} : vector<16x26x8x128xf32> to vector<16x1x8x128xf32>
    %squeeze3A_59 = vector.shape_cast %slice3A_58 : vector<16x1x8x128xf32> to vector<16x8x128xf32>
    %max3A_60 = arith.maximumf %max3A_57, %squeeze3A_59 : vector<16x8x128xf32>
    %slice3A_61 = vector.extract_strided_slice %get3A_5 {offsets = [0, 12, 0, 0], sizes = [16, 1, 8, 128], strides = [1, 1, 1, 1]} : vector<16x26x8x128xf32> to vector<16x1x8x128xf32>
    %squeeze3A_62 = vector.shape_cast %slice3A_61 : vector<16x1x8x128xf32> to vector<16x8x128xf32>
    %max3A_63 = arith.maximumf %max3A_60, %squeeze3A_62 : vector<16x8x128xf32>
    %slice3A_64 = vector.extract_strided_slice %get3A_5 {offsets = [0, 13, 0, 0], sizes = [16, 1, 8, 128], strides = [1, 1, 1, 1]} : vector<16x26x8x128xf32> to vector<16x1x8x128xf32>
    %squeeze3A_65 = vector.shape_cast %slice3A_64 : vector<16x1x8x128xf32> to vector<16x8x128xf32>
    %max3A_66 = arith.maximumf %max3A_63, %squeeze3A_65 : vector<16x8x128xf32>
    %slice3A_67 = vector.extract_strided_slice %get3A_5 {offsets = [0, 14, 0, 0], sizes = [16, 1, 8, 128], strides = [1, 1, 1, 1]} : vector<16x26x8x128xf32> to vector<16x1x8x128xf32>
    %squeeze3A_68 = vector.shape_cast %slice3A_67 : vector<16x1x8x128xf32> to vector<16x8x128xf32>
    %max3A_69 = arith.maximumf %max3A_66, %squeeze3A_68 : vector<16x8x128xf32>
    %slice3A_70 = vector.extract_strided_slice %get3A_5 {offsets = [0, 15, 0, 0], sizes = [16, 1, 8, 128], strides = [1, 1, 1, 1]} : vector<16x26x8x128xf32> to vector<16x1x8x128xf32>
    %squeeze3A_71 = vector.shape_cast %slice3A_70 : vector<16x1x8x128xf32> to vector<16x8x128xf32>
    %max3A_72 = arith.maximumf %max3A_69, %squeeze3A_71 : vector<16x8x128xf32>
    %slice3A_73 = vector.extract_strided_slice %get3A_5 {offsets = [0, 16, 0, 0], sizes = [16, 1, 8, 128], strides = [1, 1, 1, 1]} : vector<16x26x8x128xf32> to vector<16x1x8x128xf32>
    %squeeze3A_74 = vector.shape_cast %slice3A_73 : vector<16x1x8x128xf32> to vector<16x8x128xf32>
    %max3A_75 = arith.maximumf %max3A_72, %squeeze3A_74 : vector<16x8x128xf32>
    %slice3A_76 = vector.extract_strided_slice %get3A_5 {offsets = [0, 17, 0, 0], sizes = [16, 1, 8, 128], strides = [1, 1, 1, 1]} : vector<16x26x8x128xf32> to vector<16x1x8x128xf32>
    %squeeze3A_77 = vector.shape_cast %slice3A_76 : vector<16x1x8x128xf32> to vector<16x8x128xf32>
    %max3A_78 = arith.maximumf %max3A_75, %squeeze3A_77 : vector<16x8x128xf32>
    %slice3A_79 = vector.extract_strided_slice %get3A_5 {offsets = [0, 18, 0, 0], sizes = [16, 1, 8, 128], strides = [1, 1, 1, 1]} : vector<16x26x8x128xf32> to vector<16x1x8x128xf32>
    %squeeze3A_80 = vector.shape_cast %slice3A_79 : vector<16x1x8x128xf32> to vector<16x8x128xf32>
    %max3A_81 = arith.maximumf %max3A_78, %squeeze3A_80 : vector<16x8x128xf32>
    %slice3A_82 = vector.extract_strided_slice %get3A_5 {offsets = [0, 19, 0, 0], sizes = [16, 1, 8, 128], strides = [1, 1, 1, 1]} : vector<16x26x8x128xf32> to vector<16x1x8x128xf32>
    %squeeze3A_83 = vector.shape_cast %slice3A_82 : vector<16x1x8x128xf32> to vector<16x8x128xf32>
    %max3A_84 = arith.maximumf %max3A_81, %squeeze3A_83 : vector<16x8x128xf32>
    %slice3A_85 = vector.extract_strided_slice %get3A_5 {offsets = [0, 20, 0, 0], sizes = [16, 1, 8, 128], strides = [1, 1, 1, 1]} : vector<16x26x8x128xf32> to vector<16x1x8x128xf32>
    %squeeze3A_86 = vector.shape_cast %slice3A_85 : vector<16x1x8x128xf32> to vector<16x8x128xf32>
    %max3A_87 = arith.maximumf %max3A_84, %squeeze3A_86 : vector<16x8x128xf32>
    %slice3A_88 = vector.extract_strided_slice %get3A_5 {offsets = [0, 21, 0, 0], sizes = [16, 1, 8, 128], strides = [1, 1, 1, 1]} : vector<16x26x8x128xf32> to vector<16x1x8x128xf32>
    %squeeze3A_89 = vector.shape_cast %slice3A_88 : vector<16x1x8x128xf32> to vector<16x8x128xf32>
    %max3A_90 = arith.maximumf %max3A_87, %squeeze3A_89 : vector<16x8x128xf32>
    %slice3A_91 = vector.extract_strided_slice %get3A_5 {offsets = [0, 22, 0, 0], sizes = [16, 1, 8, 128], strides = [1, 1, 1, 1]} : vector<16x26x8x128xf32> to vector<16x1x8x128xf32>
    %squeeze3A_92 = vector.shape_cast %slice3A_91 : vector<16x1x8x128xf32> to vector<16x8x128xf32>
    %max3A_93 = arith.maximumf %max3A_90, %squeeze3A_92 : vector<16x8x128xf32>
    %slice3A_94 = vector.extract_strided_slice %get3A_5 {offsets = [0, 23, 0, 0], sizes = [16, 1, 8, 128], strides = [1, 1, 1, 1]} : vector<16x26x8x128xf32> to vector<16x1x8x128xf32>
    %squeeze3A_95 = vector.shape_cast %slice3A_94 : vector<16x1x8x128xf32> to vector<16x8x128xf32>
    %max3A_96 = arith.maximumf %max3A_93, %squeeze3A_95 : vector<16x8x128xf32>
    %slice3A_97 = vector.extract_strided_slice %get3A_5 {offsets = [0, 24, 0, 0], sizes = [16, 1, 8, 128], strides = [1, 1, 1, 1]} : vector<16x26x8x128xf32> to vector<16x1x8x128xf32>
    %squeeze3A_98 = vector.shape_cast %slice3A_97 : vector<16x1x8x128xf32> to vector<16x8x128xf32>
    %max3A_99 = arith.maximumf %max3A_96, %squeeze3A_98 : vector<16x8x128xf32>
    %slice3A_100 = vector.extract_strided_slice %get3A_5 {offsets = [0, 25, 0, 0], sizes = [16, 1, 8, 128], strides = [1, 1, 1, 1]} : vector<16x26x8x128xf32> to vector<16x1x8x128xf32>
    %squeeze3A_101 = vector.shape_cast %slice3A_100 : vector<16x1x8x128xf32> to vector<16x8x128xf32>
    %max3A_102 = arith.maximumf %max3A_99, %squeeze3A_101 : vector<16x8x128xf32>
    %broadcast_in_dim3A = arith.constant 0.000000e+00 : f32
    %broadcast_in_dim3A_103 = vector.broadcast %broadcast_in_dim3A : f32 to vector<16x8x128xf32>
    %broadcast_in_dim3A_104 = arith.constant 0.000000e+00 : f32
    %broadcast_in_dim3A_105 = vector.broadcast %broadcast_in_dim3A_104 : f32 to vector<16x8x128xf32>
    %convert_element_type3A_106 = arith.fptosi %squeeze3A_20 : vector<16x8x128xf32> to vector<16x8x128xi32>
    %slice3A_107 = vector.extract_strided_slice %get3A_5 {offsets = [0, 6, 0, 0], sizes = [16, 1, 8, 128], strides = [1, 1, 1, 1]} : vector<16x26x8x128xf32> to vector<16x1x8x128xf32>
    %squeeze3A_108 = vector.shape_cast %slice3A_107 : vector<16x1x8x128xf32> to vector<16x8x128xf32>
    %sub3A_109 = arith.subf %squeeze3A_108, %max3A_102 : vector<16x8x128xf32>
    %exp3A_110 = math.exp %sub3A_109 : vector<16x8x128xf32>
    %add3A_111 = arith.addf %broadcast_in_dim3A_103, %exp3A_110 : vector<16x8x128xf32>
    %eq3A_112 = arith.constant 0 : i32
    %eq3A_113 = vector.broadcast %eq3A_112 : i32 to vector<16x8x128xi32>
    %eq3A_114 = arith.cmpi eq, %convert_element_type3A_106, %eq3A_113 : vector<16x8x128xi32>
    %jit3A = arith.constant 0.000000e+00 : f32
    %broadcast_in_dim3A_115 = vector.broadcast %jit3A : f32 to vector<16x8x128xf32>
    %select_n3A = arith.select %eq3A_114, %squeeze3A_108, %broadcast_in_dim3A_115 : vector<16x8x128xi1>, vector<16x8x128xf32>
    %add3A_116 = arith.addf %broadcast_in_dim3A_105, %select_n3A : vector<16x8x128xf32>
    %slice3A_117 = vector.extract_strided_slice %get3A_5 {offsets = [0, 7, 0, 0], sizes = [16, 1, 8, 128], strides = [1, 1, 1, 1]} : vector<16x26x8x128xf32> to vector<16x1x8x128xf32>
    %squeeze3A_118 = vector.shape_cast %slice3A_117 : vector<16x1x8x128xf32> to vector<16x8x128xf32>
    %sub3A_119 = arith.subf %squeeze3A_118, %max3A_102 : vector<16x8x128xf32>
    %exp3A_120 = math.exp %sub3A_119 : vector<16x8x128xf32>
    %add3A_121 = arith.addf %add3A_111, %exp3A_120 : vector<16x8x128xf32>
    %eq3A_122 = arith.constant 1 : i32
    %eq3A_123 = vector.broadcast %eq3A_122 : i32 to vector<16x8x128xi32>
    %eq3A_124 = arith.cmpi eq, %convert_element_type3A_106, %eq3A_123 : vector<16x8x128xi32>
    %jit3A_125 = arith.constant 0.000000e+00 : f32
    %broadcast_in_dim3A_126 = vector.broadcast %jit3A_125 : f32 to vector<16x8x128xf32>
    %select_n3A_127 = arith.select %eq3A_124, %squeeze3A_118, %broadcast_in_dim3A_126 : vector<16x8x128xi1>, vector<16x8x128xf32>
    %add3A_128 = arith.addf %add3A_116, %select_n3A_127 : vector<16x8x128xf32>
    %slice3A_129 = vector.extract_strided_slice %get3A_5 {offsets = [0, 8, 0, 0], sizes = [16, 1, 8, 128], strides = [1, 1, 1, 1]} : vector<16x26x8x128xf32> to vector<16x1x8x128xf32>
    %squeeze3A_130 = vector.shape_cast %slice3A_129 : vector<16x1x8x128xf32> to vector<16x8x128xf32>
    %sub3A_131 = arith.subf %squeeze3A_130, %max3A_102 : vector<16x8x128xf32>
    %exp3A_132 = math.exp %sub3A_131 : vector<16x8x128xf32>
    %add3A_133 = arith.addf %add3A_121, %exp3A_132 : vector<16x8x128xf32>
    %eq3A_134 = arith.constant 2 : i32
    %eq3A_135 = vector.broadcast %eq3A_134 : i32 to vector<16x8x128xi32>
    %eq3A_136 = arith.cmpi eq, %convert_element_type3A_106, %eq3A_135 : vector<16x8x128xi32>
    %jit3A_137 = arith.constant 0.000000e+00 : f32
    %broadcast_in_dim3A_138 = vector.broadcast %jit3A_137 : f32 to vector<16x8x128xf32>
    %select_n3A_139 = arith.select %eq3A_136, %squeeze3A_130, %broadcast_in_dim3A_138 : vector<16x8x128xi1>, vector<16x8x128xf32>
    %add3A_140 = arith.addf %add3A_128, %select_n3A_139 : vector<16x8x128xf32>
    %slice3A_141 = vector.extract_strided_slice %get3A_5 {offsets = [0, 9, 0, 0], sizes = [16, 1, 8, 128], strides = [1, 1, 1, 1]} : vector<16x26x8x128xf32> to vector<16x1x8x128xf32>
    %squeeze3A_142 = vector.shape_cast %slice3A_141 : vector<16x1x8x128xf32> to vector<16x8x128xf32>
    %sub3A_143 = arith.subf %squeeze3A_142, %max3A_102 : vector<16x8x128xf32>
    %exp3A_144 = math.exp %sub3A_143 : vector<16x8x128xf32>
    %add3A_145 = arith.addf %add3A_133, %exp3A_144 : vector<16x8x128xf32>
    %eq3A_146 = arith.constant 3 : i32
    %eq3A_147 = vector.broadcast %eq3A_146 : i32 to vector<16x8x128xi32>
    %eq3A_148 = arith.cmpi eq, %convert_element_type3A_106, %eq3A_147 : vector<16x8x128xi32>
    %jit3A_149 = arith.constant 0.000000e+00 : f32
    %broadcast_in_dim3A_150 = vector.broadcast %jit3A_149 : f32 to vector<16x8x128xf32>
    %select_n3A_151 = arith.select %eq3A_148, %squeeze3A_142, %broadcast_in_dim3A_150 : vector<16x8x128xi1>, vector<16x8x128xf32>
    %add3A_152 = arith.addf %add3A_140, %select_n3A_151 : vector<16x8x128xf32>
    %slice3A_153 = vector.extract_strided_slice %get3A_5 {offsets = [0, 10, 0, 0], sizes = [16, 1, 8, 128], strides = [1, 1, 1, 1]} : vector<16x26x8x128xf32> to vector<16x1x8x128xf32>
    %squeeze3A_154 = vector.shape_cast %slice3A_153 : vector<16x1x8x128xf32> to vector<16x8x128xf32>
    %sub3A_155 = arith.subf %squeeze3A_154, %max3A_102 : vector<16x8x128xf32>
    %exp3A_156 = math.exp %sub3A_155 : vector<16x8x128xf32>
    %add3A_157 = arith.addf %add3A_145, %exp3A_156 : vector<16x8x128xf32>
    %eq3A_158 = arith.constant 4 : i32
    %eq3A_159 = vector.broadcast %eq3A_158 : i32 to vector<16x8x128xi32>
    %eq3A_160 = arith.cmpi eq, %convert_element_type3A_106, %eq3A_159 : vector<16x8x128xi32>
    %jit3A_161 = arith.constant 0.000000e+00 : f32
    %broadcast_in_dim3A_162 = vector.broadcast %jit3A_161 : f32 to vector<16x8x128xf32>
    %select_n3A_163 = arith.select %eq3A_160, %squeeze3A_154, %broadcast_in_dim3A_162 : vector<16x8x128xi1>, vector<16x8x128xf32>
    %add3A_164 = arith.addf %add3A_152, %select_n3A_163 : vector<16x8x128xf32>
    %slice3A_165 = vector.extract_strided_slice %get3A_5 {offsets = [0, 11, 0, 0], sizes = [16, 1, 8, 128], strides = [1, 1, 1, 1]} : vector<16x26x8x128xf32> to vector<16x1x8x128xf32>
    %squeeze3A_166 = vector.shape_cast %slice3A_165 : vector<16x1x8x128xf32> to vector<16x8x128xf32>
    %sub3A_167 = arith.subf %squeeze3A_166, %max3A_102 : vector<16x8x128xf32>
    %exp3A_168 = math.exp %sub3A_167 : vector<16x8x128xf32>
    %add3A_169 = arith.addf %add3A_157, %exp3A_168 : vector<16x8x128xf32>
    %eq3A_170 = arith.constant 5 : i32
    %eq3A_171 = vector.broadcast %eq3A_170 : i32 to vector<16x8x128xi32>
    %eq3A_172 = arith.cmpi eq, %convert_element_type3A_106, %eq3A_171 : vector<16x8x128xi32>
    %jit3A_173 = arith.constant 0.000000e+00 : f32
    %broadcast_in_dim3A_174 = vector.broadcast %jit3A_173 : f32 to vector<16x8x128xf32>
    %select_n3A_175 = arith.select %eq3A_172, %squeeze3A_166, %broadcast_in_dim3A_174 : vector<16x8x128xi1>, vector<16x8x128xf32>
    %add3A_176 = arith.addf %add3A_164, %select_n3A_175 : vector<16x8x128xf32>
    %slice3A_177 = vector.extract_strided_slice %get3A_5 {offsets = [0, 12, 0, 0], sizes = [16, 1, 8, 128], strides = [1, 1, 1, 1]} : vector<16x26x8x128xf32> to vector<16x1x8x128xf32>
    %squeeze3A_178 = vector.shape_cast %slice3A_177 : vector<16x1x8x128xf32> to vector<16x8x128xf32>
    %sub3A_179 = arith.subf %squeeze3A_178, %max3A_102 : vector<16x8x128xf32>
    %exp3A_180 = math.exp %sub3A_179 : vector<16x8x128xf32>
    %add3A_181 = arith.addf %add3A_169, %exp3A_180 : vector<16x8x128xf32>
    %eq3A_182 = arith.constant 6 : i32
    %eq3A_183 = vector.broadcast %eq3A_182 : i32 to vector<16x8x128xi32>
    %eq3A_184 = arith.cmpi eq, %convert_element_type3A_106, %eq3A_183 : vector<16x8x128xi32>
    %jit3A_185 = arith.constant 0.000000e+00 : f32
    %broadcast_in_dim3A_186 = vector.broadcast %jit3A_185 : f32 to vector<16x8x128xf32>
    %select_n3A_187 = arith.select %eq3A_184, %squeeze3A_178, %broadcast_in_dim3A_186 : vector<16x8x128xi1>, vector<16x8x128xf32>
    %add3A_188 = arith.addf %add3A_176, %select_n3A_187 : vector<16x8x128xf32>
    %slice3A_189 = vector.extract_strided_slice %get3A_5 {offsets = [0, 13, 0, 0], sizes = [16, 1, 8, 128], strides = [1, 1, 1, 1]} : vector<16x26x8x128xf32> to vector<16x1x8x128xf32>
    %squeeze3A_190 = vector.shape_cast %slice3A_189 : vector<16x1x8x128xf32> to vector<16x8x128xf32>
    %sub3A_191 = arith.subf %squeeze3A_190, %max3A_102 : vector<16x8x128xf32>
    %exp3A_192 = math.exp %sub3A_191 : vector<16x8x128xf32>
    %add3A_193 = arith.addf %add3A_181, %exp3A_192 : vector<16x8x128xf32>
    %eq3A_194 = arith.constant 7 : i32
    %eq3A_195 = vector.broadcast %eq3A_194 : i32 to vector<16x8x128xi32>
    %eq3A_196 = arith.cmpi eq, %convert_element_type3A_106, %eq3A_195 : vector<16x8x128xi32>
    %jit3A_197 = arith.constant 0.000000e+00 : f32
    %broadcast_in_dim3A_198 = vector.broadcast %jit3A_197 : f32 to vector<16x8x128xf32>
    %select_n3A_199 = arith.select %eq3A_196, %squeeze3A_190, %broadcast_in_dim3A_198 : vector<16x8x128xi1>, vector<16x8x128xf32>
    %add3A_200 = arith.addf %add3A_188, %select_n3A_199 : vector<16x8x128xf32>
    %slice3A_201 = vector.extract_strided_slice %get3A_5 {offsets = [0, 14, 0, 0], sizes = [16, 1, 8, 128], strides = [1, 1, 1, 1]} : vector<16x26x8x128xf32> to vector<16x1x8x128xf32>
    %squeeze3A_202 = vector.shape_cast %slice3A_201 : vector<16x1x8x128xf32> to vector<16x8x128xf32>
    %sub3A_203 = arith.subf %squeeze3A_202, %max3A_102 : vector<16x8x128xf32>
    %exp3A_204 = math.exp %sub3A_203 : vector<16x8x128xf32>
    %add3A_205 = arith.addf %add3A_193, %exp3A_204 : vector<16x8x128xf32>
    %eq3A_206 = arith.constant 8 : i32
    %eq3A_207 = vector.broadcast %eq3A_206 : i32 to vector<16x8x128xi32>
    %eq3A_208 = arith.cmpi eq, %convert_element_type3A_106, %eq3A_207 : vector<16x8x128xi32>
    %jit3A_209 = arith.constant 0.000000e+00 : f32
    %broadcast_in_dim3A_210 = vector.broadcast %jit3A_209 : f32 to vector<16x8x128xf32>
    %select_n3A_211 = arith.select %eq3A_208, %squeeze3A_202, %broadcast_in_dim3A_210 : vector<16x8x128xi1>, vector<16x8x128xf32>
    %add3A_212 = arith.addf %add3A_200, %select_n3A_211 : vector<16x8x128xf32>
    %slice3A_213 = vector.extract_strided_slice %get3A_5 {offsets = [0, 15, 0, 0], sizes = [16, 1, 8, 128], strides = [1, 1, 1, 1]} : vector<16x26x8x128xf32> to vector<16x1x8x128xf32>
    %squeeze3A_214 = vector.shape_cast %slice3A_213 : vector<16x1x8x128xf32> to vector<16x8x128xf32>
    %sub3A_215 = arith.subf %squeeze3A_214, %max3A_102 : vector<16x8x128xf32>
    %exp3A_216 = math.exp %sub3A_215 : vector<16x8x128xf32>
    %add3A_217 = arith.addf %add3A_205, %exp3A_216 : vector<16x8x128xf32>
    %eq3A_218 = arith.constant 9 : i32
    %eq3A_219 = vector.broadcast %eq3A_218 : i32 to vector<16x8x128xi32>
    %eq3A_220 = arith.cmpi eq, %convert_element_type3A_106, %eq3A_219 : vector<16x8x128xi32>
    %jit3A_221 = arith.constant 0.000000e+00 : f32
    %broadcast_in_dim3A_222 = vector.broadcast %jit3A_221 : f32 to vector<16x8x128xf32>
    %select_n3A_223 = arith.select %eq3A_220, %squeeze3A_214, %broadcast_in_dim3A_222 : vector<16x8x128xi1>, vector<16x8x128xf32>
    %add3A_224 = arith.addf %add3A_212, %select_n3A_223 : vector<16x8x128xf32>
    %slice3A_225 = vector.extract_strided_slice %get3A_5 {offsets = [0, 16, 0, 0], sizes = [16, 1, 8, 128], strides = [1, 1, 1, 1]} : vector<16x26x8x128xf32> to vector<16x1x8x128xf32>
    %squeeze3A_226 = vector.shape_cast %slice3A_225 : vector<16x1x8x128xf32> to vector<16x8x128xf32>
    %sub3A_227 = arith.subf %squeeze3A_226, %max3A_102 : vector<16x8x128xf32>
    %exp3A_228 = math.exp %sub3A_227 : vector<16x8x128xf32>
    %add3A_229 = arith.addf %add3A_217, %exp3A_228 : vector<16x8x128xf32>
    %eq3A_230 = arith.constant 10 : i32
    %eq3A_231 = vector.broadcast %eq3A_230 : i32 to vector<16x8x128xi32>
    %eq3A_232 = arith.cmpi eq, %convert_element_type3A_106, %eq3A_231 : vector<16x8x128xi32>
    %jit3A_233 = arith.constant 0.000000e+00 : f32
    %broadcast_in_dim3A_234 = vector.broadcast %jit3A_233 : f32 to vector<16x8x128xf32>
    %select_n3A_235 = arith.select %eq3A_232, %squeeze3A_226, %broadcast_in_dim3A_234 : vector<16x8x128xi1>, vector<16x8x128xf32>
    %add3A_236 = arith.addf %add3A_224, %select_n3A_235 : vector<16x8x128xf32>
    %slice3A_237 = vector.extract_strided_slice %get3A_5 {offsets = [0, 17, 0, 0], sizes = [16, 1, 8, 128], strides = [1, 1, 1, 1]} : vector<16x26x8x128xf32> to vector<16x1x8x128xf32>
    %squeeze3A_238 = vector.shape_cast %slice3A_237 : vector<16x1x8x128xf32> to vector<16x8x128xf32>
    %sub3A_239 = arith.subf %squeeze3A_238, %max3A_102 : vector<16x8x128xf32>
    %exp3A_240 = math.exp %sub3A_239 : vector<16x8x128xf32>
    %add3A_241 = arith.addf %add3A_229, %exp3A_240 : vector<16x8x128xf32>
    %eq3A_242 = arith.constant 11 : i32
    %eq3A_243 = vector.broadcast %eq3A_242 : i32 to vector<16x8x128xi32>
    %eq3A_244 = arith.cmpi eq, %convert_element_type3A_106, %eq3A_243 : vector<16x8x128xi32>
    %jit3A_245 = arith.constant 0.000000e+00 : f32
    %broadcast_in_dim3A_246 = vector.broadcast %jit3A_245 : f32 to vector<16x8x128xf32>
    %select_n3A_247 = arith.select %eq3A_244, %squeeze3A_238, %broadcast_in_dim3A_246 : vector<16x8x128xi1>, vector<16x8x128xf32>
    %add3A_248 = arith.addf %add3A_236, %select_n3A_247 : vector<16x8x128xf32>
    %slice3A_249 = vector.extract_strided_slice %get3A_5 {offsets = [0, 18, 0, 0], sizes = [16, 1, 8, 128], strides = [1, 1, 1, 1]} : vector<16x26x8x128xf32> to vector<16x1x8x128xf32>
    %squeeze3A_250 = vector.shape_cast %slice3A_249 : vector<16x1x8x128xf32> to vector<16x8x128xf32>
    %sub3A_251 = arith.subf %squeeze3A_250, %max3A_102 : vector<16x8x128xf32>
    %exp3A_252 = math.exp %sub3A_251 : vector<16x8x128xf32>
    %add3A_253 = arith.addf %add3A_241, %exp3A_252 : vector<16x8x128xf32>
    %eq3A_254 = arith.constant 12 : i32
    %eq3A_255 = vector.broadcast %eq3A_254 : i32 to vector<16x8x128xi32>
    %eq3A_256 = arith.cmpi eq, %convert_element_type3A_106, %eq3A_255 : vector<16x8x128xi32>
    %jit3A_257 = arith.constant 0.000000e+00 : f32
    %broadcast_in_dim3A_258 = vector.broadcast %jit3A_257 : f32 to vector<16x8x128xf32>
    %select_n3A_259 = arith.select %eq3A_256, %squeeze3A_250, %broadcast_in_dim3A_258 : vector<16x8x128xi1>, vector<16x8x128xf32>
    %add3A_260 = arith.addf %add3A_248, %select_n3A_259 : vector<16x8x128xf32>
    %slice3A_261 = vector.extract_strided_slice %get3A_5 {offsets = [0, 19, 0, 0], sizes = [16, 1, 8, 128], strides = [1, 1, 1, 1]} : vector<16x26x8x128xf32> to vector<16x1x8x128xf32>
    %squeeze3A_262 = vector.shape_cast %slice3A_261 : vector<16x1x8x128xf32> to vector<16x8x128xf32>
    %sub3A_263 = arith.subf %squeeze3A_262, %max3A_102 : vector<16x8x128xf32>
    %exp3A_264 = math.exp %sub3A_263 : vector<16x8x128xf32>
    %add3A_265 = arith.addf %add3A_253, %exp3A_264 : vector<16x8x128xf32>
    %eq3A_266 = arith.constant 13 : i32
    %eq3A_267 = vector.broadcast %eq3A_266 : i32 to vector<16x8x128xi32>
    %eq3A_268 = arith.cmpi eq, %convert_element_type3A_106, %eq3A_267 : vector<16x8x128xi32>
    %jit3A_269 = arith.constant 0.000000e+00 : f32
    %broadcast_in_dim3A_270 = vector.broadcast %jit3A_269 : f32 to vector<16x8x128xf32>
    %select_n3A_271 = arith.select %eq3A_268, %squeeze3A_262, %broadcast_in_dim3A_270 : vector<16x8x128xi1>, vector<16x8x128xf32>
    %add3A_272 = arith.addf %add3A_260, %select_n3A_271 : vector<16x8x128xf32>
    %slice3A_273 = vector.extract_strided_slice %get3A_5 {offsets = [0, 20, 0, 0], sizes = [16, 1, 8, 128], strides = [1, 1, 1, 1]} : vector<16x26x8x128xf32> to vector<16x1x8x128xf32>
    %squeeze3A_274 = vector.shape_cast %slice3A_273 : vector<16x1x8x128xf32> to vector<16x8x128xf32>
    %sub3A_275 = arith.subf %squeeze3A_274, %max3A_102 : vector<16x8x128xf32>
    %exp3A_276 = math.exp %sub3A_275 : vector<16x8x128xf32>
    %add3A_277 = arith.addf %add3A_265, %exp3A_276 : vector<16x8x128xf32>
    %eq3A_278 = arith.constant 14 : i32
    %eq3A_279 = vector.broadcast %eq3A_278 : i32 to vector<16x8x128xi32>
    %eq3A_280 = arith.cmpi eq, %convert_element_type3A_106, %eq3A_279 : vector<16x8x128xi32>
    %jit3A_281 = arith.constant 0.000000e+00 : f32
    %broadcast_in_dim3A_282 = vector.broadcast %jit3A_281 : f32 to vector<16x8x128xf32>
    %select_n3A_283 = arith.select %eq3A_280, %squeeze3A_274, %broadcast_in_dim3A_282 : vector<16x8x128xi1>, vector<16x8x128xf32>
    %add3A_284 = arith.addf %add3A_272, %select_n3A_283 : vector<16x8x128xf32>
    %slice3A_285 = vector.extract_strided_slice %get3A_5 {offsets = [0, 21, 0, 0], sizes = [16, 1, 8, 128], strides = [1, 1, 1, 1]} : vector<16x26x8x128xf32> to vector<16x1x8x128xf32>
    %squeeze3A_286 = vector.shape_cast %slice3A_285 : vector<16x1x8x128xf32> to vector<16x8x128xf32>
    %sub3A_287 = arith.subf %squeeze3A_286, %max3A_102 : vector<16x8x128xf32>
    %exp3A_288 = math.exp %sub3A_287 : vector<16x8x128xf32>
    %add3A_289 = arith.addf %add3A_277, %exp3A_288 : vector<16x8x128xf32>
    %eq3A_290 = arith.constant 15 : i32
    %eq3A_291 = vector.broadcast %eq3A_290 : i32 to vector<16x8x128xi32>
    %eq3A_292 = arith.cmpi eq, %convert_element_type3A_106, %eq3A_291 : vector<16x8x128xi32>
    %jit3A_293 = arith.constant 0.000000e+00 : f32
    %broadcast_in_dim3A_294 = vector.broadcast %jit3A_293 : f32 to vector<16x8x128xf32>
    %select_n3A_295 = arith.select %eq3A_292, %squeeze3A_286, %broadcast_in_dim3A_294 : vector<16x8x128xi1>, vector<16x8x128xf32>
    %add3A_296 = arith.addf %add3A_284, %select_n3A_295 : vector<16x8x128xf32>
    %slice3A_297 = vector.extract_strided_slice %get3A_5 {offsets = [0, 22, 0, 0], sizes = [16, 1, 8, 128], strides = [1, 1, 1, 1]} : vector<16x26x8x128xf32> to vector<16x1x8x128xf32>
    %squeeze3A_298 = vector.shape_cast %slice3A_297 : vector<16x1x8x128xf32> to vector<16x8x128xf32>
    %sub3A_299 = arith.subf %squeeze3A_298, %max3A_102 : vector<16x8x128xf32>
    %exp3A_300 = math.exp %sub3A_299 : vector<16x8x128xf32>
    %add3A_301 = arith.addf %add3A_289, %exp3A_300 : vector<16x8x128xf32>
    %eq3A_302 = arith.constant 16 : i32
    %eq3A_303 = vector.broadcast %eq3A_302 : i32 to vector<16x8x128xi32>
    %eq3A_304 = arith.cmpi eq, %convert_element_type3A_106, %eq3A_303 : vector<16x8x128xi32>
    %jit3A_305 = arith.constant 0.000000e+00 : f32
    %broadcast_in_dim3A_306 = vector.broadcast %jit3A_305 : f32 to vector<16x8x128xf32>
    %select_n3A_307 = arith.select %eq3A_304, %squeeze3A_298, %broadcast_in_dim3A_306 : vector<16x8x128xi1>, vector<16x8x128xf32>
    %add3A_308 = arith.addf %add3A_296, %select_n3A_307 : vector<16x8x128xf32>
    %slice3A_309 = vector.extract_strided_slice %get3A_5 {offsets = [0, 23, 0, 0], sizes = [16, 1, 8, 128], strides = [1, 1, 1, 1]} : vector<16x26x8x128xf32> to vector<16x1x8x128xf32>
    %squeeze3A_310 = vector.shape_cast %slice3A_309 : vector<16x1x8x128xf32> to vector<16x8x128xf32>
    %sub3A_311 = arith.subf %squeeze3A_310, %max3A_102 : vector<16x8x128xf32>
    %exp3A_312 = math.exp %sub3A_311 : vector<16x8x128xf32>
    %add3A_313 = arith.addf %add3A_301, %exp3A_312 : vector<16x8x128xf32>
    %eq3A_314 = arith.constant 17 : i32
    %eq3A_315 = vector.broadcast %eq3A_314 : i32 to vector<16x8x128xi32>
    %eq3A_316 = arith.cmpi eq, %convert_element_type3A_106, %eq3A_315 : vector<16x8x128xi32>
    %jit3A_317 = arith.constant 0.000000e+00 : f32
    %broadcast_in_dim3A_318 = vector.broadcast %jit3A_317 : f32 to vector<16x8x128xf32>
    %select_n3A_319 = arith.select %eq3A_316, %squeeze3A_310, %broadcast_in_dim3A_318 : vector<16x8x128xi1>, vector<16x8x128xf32>
    %add3A_320 = arith.addf %add3A_308, %select_n3A_319 : vector<16x8x128xf32>
    %slice3A_321 = vector.extract_strided_slice %get3A_5 {offsets = [0, 24, 0, 0], sizes = [16, 1, 8, 128], strides = [1, 1, 1, 1]} : vector<16x26x8x128xf32> to vector<16x1x8x128xf32>
    %squeeze3A_322 = vector.shape_cast %slice3A_321 : vector<16x1x8x128xf32> to vector<16x8x128xf32>
    %sub3A_323 = arith.subf %squeeze3A_322, %max3A_102 : vector<16x8x128xf32>
    %exp3A_324 = math.exp %sub3A_323 : vector<16x8x128xf32>
    %add3A_325 = arith.addf %add3A_313, %exp3A_324 : vector<16x8x128xf32>
    %eq3A_326 = arith.constant 18 : i32
    %eq3A_327 = vector.broadcast %eq3A_326 : i32 to vector<16x8x128xi32>
    %eq3A_328 = arith.cmpi eq, %convert_element_type3A_106, %eq3A_327 : vector<16x8x128xi32>
    %jit3A_329 = arith.constant 0.000000e+00 : f32
    %broadcast_in_dim3A_330 = vector.broadcast %jit3A_329 : f32 to vector<16x8x128xf32>
    %select_n3A_331 = arith.select %eq3A_328, %squeeze3A_322, %broadcast_in_dim3A_330 : vector<16x8x128xi1>, vector<16x8x128xf32>
    %add3A_332 = arith.addf %add3A_320, %select_n3A_331 : vector<16x8x128xf32>
    %slice3A_333 = vector.extract_strided_slice %get3A_5 {offsets = [0, 25, 0, 0], sizes = [16, 1, 8, 128], strides = [1, 1, 1, 1]} : vector<16x26x8x128xf32> to vector<16x1x8x128xf32>
    %squeeze3A_334 = vector.shape_cast %slice3A_333 : vector<16x1x8x128xf32> to vector<16x8x128xf32>
    %sub3A_335 = arith.subf %squeeze3A_334, %max3A_102 : vector<16x8x128xf32>
    %exp3A_336 = math.exp %sub3A_335 : vector<16x8x128xf32>
    %add3A_337 = arith.addf %add3A_325, %exp3A_336 : vector<16x8x128xf32>
    %eq3A_338 = arith.constant 19 : i32
    %eq3A_339 = vector.broadcast %eq3A_338 : i32 to vector<16x8x128xi32>
    %eq3A_340 = arith.cmpi eq, %convert_element_type3A_106, %eq3A_339 : vector<16x8x128xi32>
    %jit3A_341 = arith.constant 0.000000e+00 : f32
    %broadcast_in_dim3A_342 = vector.broadcast %jit3A_341 : f32 to vector<16x8x128xf32>
    %select_n3A_343 = arith.select %eq3A_340, %squeeze3A_334, %broadcast_in_dim3A_342 : vector<16x8x128xi1>, vector<16x8x128xf32>
    %add3A_344 = arith.addf %add3A_332, %select_n3A_343 : vector<16x8x128xf32>
    %log3A = math.log %add3A_337 : vector<16x8x128xf32>
    %add3A_345 = arith.addf %max3A_102, %log3A : vector<16x8x128xf32>
    %sub3A_346 = arith.subf %add3A_344, %add3A_345 : vector<16x8x128xf32>
    %get3A_347 = arith.constant 0 : index
    %get3A_348 = arith.constant 0 : index
    %get3A_349 = arith.constant 0 : index
    %get3A_350 = vector.load %arg4[%get3A_347, %get3A_348, %get3A_349] : memref<9x8x128xf32, #tpu.memory_space<vmem>>, vector<9x8x128xf32>
    %sub3A_351 = arith.subf %squeeze3A_26, %squeeze3A_12 : vector<16x8x128xf32>
    %integer_pow3A = arith.mulf %sub3A_351, %sub3A_351 : vector<16x8x128xf32>
    %mul3A_352 = arith.mulf %squeeze3A, %integer_pow3A : vector<16x8x128xf32>
    %sub3A_353 = arith.subf %squeeze3A_28, %squeeze3A_14 : vector<16x8x128xf32>
    %integer_pow3A_354 = arith.mulf %sub3A_353, %sub3A_353 : vector<16x8x128xf32>
    %mul3A_355 = arith.mulf %squeeze3A, %integer_pow3A_354 : vector<16x8x128xf32>
    %sub3A_356 = arith.subf %squeeze3A_32, %squeeze3A_16 : vector<16x8x128xf32>
    %integer_pow3A_357 = arith.mulf %sub3A_356, %sub3A_356 : vector<16x8x128xf32>
    %mul3A_358 = arith.mulf %squeeze3A, %integer_pow3A_357 : vector<16x8x128xf32>
    %sub3A_359 = arith.subf %squeeze3A_30, %squeeze3A_18 : vector<16x8x128xf32>
    %integer_pow3A_360 = arith.mulf %sub3A_359, %sub3A_359 : vector<16x8x128xf32>
    %mul3A_361 = arith.mulf %squeeze3A, %integer_pow3A_360 : vector<16x8x128xf32>
    %mul3A_362 = arith.mulf %mul3A, %add3A : vector<16x8x128xf32>
    %mul3A_363 = arith.mulf %squeeze3A, %add3A : vector<16x8x128xf32>
    %mul3A_364 = arith.mulf %squeeze3A, %sub3A_346 : vector<16x8x128xf32>
    %reduce_sum3A = arith.constant dense<0.000000e+00> : vector<8x128xf32>
    %reduce_sum3A_365 = vector.multi_reduction <add>, %squeeze3A, %reduce_sum3A [0] : vector<16x8x128xf32> to vector<8x128xf32>
    %reduce_sum3A_366 = arith.constant dense<0.000000e+00> : vector<8x128xf32>
    %reduce_sum3A_367 = vector.multi_reduction <add>, %mul3A, %reduce_sum3A_366 [0] : vector<16x8x128xf32> to vector<8x128xf32>
    %reduce_sum3A_368 = arith.constant dense<0.000000e+00> : vector<8x128xf32>
    %reduce_sum3A_369 = vector.multi_reduction <add>, %mul3A_352, %reduce_sum3A_368 [0] : vector<16x8x128xf32> to vector<8x128xf32>
    %reduce_sum3A_370 = arith.constant dense<0.000000e+00> : vector<8x128xf32>
    %reduce_sum3A_371 = vector.multi_reduction <add>, %mul3A_355, %reduce_sum3A_370 [0] : vector<16x8x128xf32> to vector<8x128xf32>
    %reduce_sum3A_372 = arith.constant dense<0.000000e+00> : vector<8x128xf32>
    %reduce_sum3A_373 = vector.multi_reduction <add>, %mul3A_358, %reduce_sum3A_372 [0] : vector<16x8x128xf32> to vector<8x128xf32>
    %reduce_sum3A_374 = arith.constant dense<0.000000e+00> : vector<8x128xf32>
    %reduce_sum3A_375 = vector.multi_reduction <add>, %mul3A_361, %reduce_sum3A_374 [0] : vector<16x8x128xf32> to vector<8x128xf32>
    %reduce_sum3A_376 = arith.constant dense<0.000000e+00> : vector<8x128xf32>
    %reduce_sum3A_377 = vector.multi_reduction <add>, %mul3A_362, %reduce_sum3A_376 [0] : vector<16x8x128xf32> to vector<8x128xf32>
    %reduce_sum3A_378 = arith.constant dense<0.000000e+00> : vector<8x128xf32>
    %reduce_sum3A_379 = vector.multi_reduction <add>, %mul3A_363, %reduce_sum3A_378 [0] : vector<16x8x128xf32> to vector<8x128xf32>
    %reduce_sum3A_380 = arith.constant dense<0.000000e+00> : vector<8x128xf32>
    %reduce_sum3A_381 = vector.multi_reduction <add>, %mul3A_364, %reduce_sum3A_380 [0] : vector<16x8x128xf32> to vector<8x128xf32>
    %stack3A = vector.shape_cast %reduce_sum3A_365 : vector<8x128xf32> to vector<1x8x128xf32>
    %stack3A_382 = vector.shape_cast %reduce_sum3A_367 : vector<8x128xf32> to vector<1x8x128xf32>
    %stack3A_383 = vector.shape_cast %reduce_sum3A_369 : vector<8x128xf32> to vector<1x8x128xf32>
    %stack3A_384 = vector.shape_cast %reduce_sum3A_371 : vector<8x128xf32> to vector<1x8x128xf32>
    %stack3A_385 = vector.shape_cast %reduce_sum3A_373 : vector<8x128xf32> to vector<1x8x128xf32>
    %stack3A_386 = vector.shape_cast %reduce_sum3A_375 : vector<8x128xf32> to vector<1x8x128xf32>
    %stack3A_387 = vector.shape_cast %reduce_sum3A_377 : vector<8x128xf32> to vector<1x8x128xf32>
    %stack3A_388 = vector.shape_cast %reduce_sum3A_379 : vector<8x128xf32> to vector<1x8x128xf32>
    %stack3A_389 = vector.shape_cast %reduce_sum3A_381 : vector<8x128xf32> to vector<1x8x128xf32>
    %stack3A_390 = tpu.concatenate %stack3A, %stack3A_382, %stack3A_383, %stack3A_384, %stack3A_385, %stack3A_386, %stack3A_387, %stack3A_388, %stack3A_389 in 0 : vector<1x8x128xf32>, vector<1x8x128xf32>, vector<1x8x128xf32>, vector<1x8x128xf32>, vector<1x8x128xf32>, vector<1x8x128xf32>, vector<1x8x128xf32>, vector<1x8x128xf32>, vector<1x8x128xf32> -> vector<9x8x128xf32>
    %add3A_391 = arith.addf %get3A_350, %stack3A_390 : vector<9x8x128xf32>
    %swap3A = arith.constant 0 : index
    %swap3A_392 = arith.constant 0 : index
    %swap3A_393 = arith.constant 0 : index
    %swap3A_394 = vector.load %arg4[%swap3A, %swap3A_392, %swap3A_393] : memref<9x8x128xf32, #tpu.memory_space<vmem>>, vector<9x8x128xf32>
    tpu.vector_store %arg4[%swap3A, %swap3A_392, %swap3A_393], %add3A_391 {strides = array<i32>} : memref<9x8x128xf32, #tpu.memory_space<vmem>>, vector<9x8x128xf32>,
    %eq3A_395 = arith.constant 4 : i32
    %eq3A_396 = arith.cmpi eq, %arg0, %eq3A_395 : i32
    %convert_element_type3A_397 = arith.extui %eq3A_396 : i1 to i32
    %cond3A_398 = arith.constant 0 : i32
    %cond3A_399 = arith.cmpi ne, %convert_element_type3A_397, %cond3A_398 : i32
    scf.if %cond3A_399 {
      %get3A_400 = arith.constant 0 : index
      %get3A_401 = arith.constant 0 : index
      %get3A_402 = arith.constant 0 : index
      %get3A_403 = vector.load %arg4[%get3A_400, %get3A_401, %get3A_402] : memref<9x8x128xf32, #tpu.memory_space<vmem>>, vector<9x8x128xf32>
      %reduce_sum3A_404 = arith.constant dense<0.000000e+00> : vector<9xf32>
      %reduce_sum3A_405 = vector.multi_reduction <add>, %get3A_403, %reduce_sum3A_404 [1, 2] : vector<9x8x128xf32> to vector<9xf32>
      %slice3A_406 = vector.extract_strided_slice %reduce_sum3A_405 {offsets = [0], sizes = [1], strides = [1]} : vector<9xf32> to vector<1xf32>
      %squeeze3A_407 = vector.extract %slice3A_406[0] : f32 from vector<1xf32>
      %slice3A_408 = vector.extract_strided_slice %reduce_sum3A_405 {offsets = [1], sizes = [1], strides = [1]} : vector<9xf32> to vector<1xf32>
      %squeeze3A_409 = vector.extract %slice3A_408[0] : f32 from vector<1xf32>
      %slice3A_410 = vector.extract_strided_slice %reduce_sum3A_405 {offsets = [2], sizes = [1], strides = [1]} : vector<9xf32> to vector<1xf32>
      %squeeze3A_411 = vector.extract %slice3A_410[0] : f32 from vector<1xf32>
      %slice3A_412 = vector.extract_strided_slice %reduce_sum3A_405 {offsets = [3], sizes = [1], strides = [1]} : vector<9xf32> to vector<1xf32>
      %squeeze3A_413 = vector.extract %slice3A_412[0] : f32 from vector<1xf32>
      %add3A_414 = arith.addf %squeeze3A_411, %squeeze3A_413 : f32
      %slice3A_415 = vector.extract_strided_slice %reduce_sum3A_405 {offsets = [4], sizes = [1], strides = [1]} : vector<9xf32> to vector<1xf32>
      %squeeze3A_416 = vector.extract %slice3A_415[0] : f32 from vector<1xf32>
      %add3A_417 = arith.addf %add3A_414, %squeeze3A_416 : f32
      %slice3A_418 = vector.extract_strided_slice %reduce_sum3A_405 {offsets = [5], sizes = [1], strides = [1]} : vector<9xf32> to vector<1xf32>
      %squeeze3A_419 = vector.extract %slice3A_418[0] : f32 from vector<1xf32>
      %add3A_420 = arith.addf %add3A_417, %squeeze3A_419 : f32
      %div3A = arith.divf %add3A_420, %squeeze3A_407 : f32
      %slice3A_421 = vector.extract_strided_slice %reduce_sum3A_405 {offsets = [6], sizes = [1], strides = [1]} : vector<9xf32> to vector<1xf32>
      %squeeze3A_422 = vector.extract %slice3A_421[0] : f32 from vector<1xf32>
      %mul3A_423 = arith.constant 1.250000e+00 : f32
      %mul3A_424 = arith.mulf %mul3A_423, %squeeze3A_422 : f32
      %div3A_425 = arith.divf %mul3A_424, %squeeze3A_409 : f32
      %add3A_426 = arith.addf %div3A, %div3A_425 : f32
      %slice3A_427 = vector.extract_strided_slice %reduce_sum3A_405 {offsets = [7], sizes = [1], strides = [1]} : vector<9xf32> to vector<1xf32>
      %squeeze3A_428 = vector.extract %slice3A_427[0] : f32 from vector<1xf32>
      %div3A_429 = arith.divf %squeeze3A_428, %squeeze3A_407 : f32
      %add3A_430 = arith.addf %add3A_426, %div3A_429 : f32
      %slice3A_431 = vector.extract_strided_slice %reduce_sum3A_405 {offsets = [8], sizes = [1], strides = [1]} : vector<9xf32> to vector<1xf32>
      %squeeze3A_432 = vector.extract %slice3A_431[0] : f32 from vector<1xf32>
      %div3A_433 = arith.divf %squeeze3A_432, %squeeze3A_407 : f32
      %sub3A_434 = arith.subf %add3A_430, %div3A_433 : f32
      %broadcast_in_dim3A_435 = vector.broadcast %sub3A_434 : f32 to vector<1x1xf32>
      %swap3A_436 = arith.constant 0 : index
      %swap3A_437 = arith.constant 0 : index
      %swap3A_438 = vector.load %arg3[%swap3A_436, %swap3A_437] : memref<1x1xf32, #tpu.memory_space<vmem>>, vector<1x1xf32>
      tpu.vector_store %arg3[%swap3A_436, %swap3A_437], %broadcast_in_dim3A_435 {strides = array<i32>} : memref<1x1xf32, #tpu.memory_space<vmem>>, vector<1x1xf32>,
    } else {
    }
    return
  }
  func.func @transform_0(%arg0: i32) -> (i32, i32, i32, i32) {
    %c0_i32 = arith.constant 0 : i32
    %c0_i32_0 = arith.constant 0 : i32
    %c0_i32_1 = arith.constant 0 : i32
    %c0_i32_2 = arith.constant 0 : i32
    return %arg0, %c0_i32, %c0_i32_0, %c0_i32_1 : i32, i32, i32, i32
  }
  func.func @transform_1(%arg0: i32) -> (i32, i32, i32, i32) {
    %c0_i32 = arith.constant 0 : i32
    %c0_i32_0 = arith.constant 0 : i32
    %c0_i32_1 = arith.constant 0 : i32
    %c0_i32_2 = arith.constant 0 : i32
    return %arg0, %c0_i32, %c0_i32_0, %c0_i32_1 : i32, i32, i32, i32
  }
  func.func @transform_2(%arg0: i32) -> (i32, i32) {
    %c0_i32 = arith.constant 0 : i32
    %c0_i32_0 = arith.constant 0 : i32
    %c0_i32_1 = arith.constant 0 : i32
    return %c0_i32, %c0_i32_0 : i32, i32
  }
}

module attributes {stable_mosaic.version = 14 : i64} {
  func.func @_records_body(%arg0: memref<16x50x33xf32, #tpu.memory_space<vmem>>, %arg1: memref<16x1xi32, #tpu.memory_space<vmem>>, %arg2: memref<16x16x128xf32, #tpu.memory_space<vmem>>) attributes {dimension_semantics = [], scalar_prefetch = 0 : i64, scratch_operands = 0 : i64, tpu.core_type = #tpu.core_type<tc>} {
    %get3A = arith.constant 0 : index
    %get3A_0 = arith.constant 0 : index
    %get3A_1 = arith.constant 0 : index
    %get3A_2 = vector.load %arg0[%get3A, %get3A_0, %get3A_1] : memref<16x50x33xf32, #tpu.memory_space<vmem>>, vector<16x50x33xf32>
    %get3A_3 = arith.constant 0 : index
    %get3A_4 = arith.constant 0 : index
    %get3A_5 = vector.load %arg1[%get3A_3, %get3A_4] : memref<16x1xi32, #tpu.memory_space<vmem>>, vector<16x1xi32>
    %slice3A = vector.extract_strided_slice %get3A_2 {offsets = [0, 0, 0], sizes = [16, 50, 1], strides = [1, 1, 1]} : vector<16x50x33xf32> to vector<16x50x1xf32>
    %squeeze3A = vector.shape_cast %slice3A : vector<16x50x1xf32> to vector<16x50xf32>
    %mul3A = arith.constant 6.250000e-02 : f32
    %mul3A_6 = vector.broadcast %mul3A : f32 to vector<16x50xf32>
    %mul3A_7 = arith.mulf %squeeze3A, %mul3A_6 : vector<16x50xf32>
    %slice3A_8 = vector.extract_strided_slice %get3A_2 {offsets = [0, 0, 1], sizes = [16, 50, 1], strides = [1, 1, 1]} : vector<16x50x33xf32> to vector<16x50x1xf32>
    %squeeze3A_9 = vector.shape_cast %slice3A_8 : vector<16x50x1xf32> to vector<16x50xf32>
    %mul3A_10 = arith.constant 6.250000e-02 : f32
    %mul3A_11 = vector.broadcast %mul3A_10 : f32 to vector<16x50xf32>
    %mul3A_12 = arith.mulf %squeeze3A_9, %mul3A_11 : vector<16x50xf32>
    %slice3A_13 = vector.extract_strided_slice %get3A_2 {offsets = [0, 0, 3], sizes = [16, 50, 1], strides = [1, 1, 1]} : vector<16x50x33xf32> to vector<16x50x1xf32>
    %squeeze3A_14 = vector.shape_cast %slice3A_13 : vector<16x50x1xf32> to vector<16x50xf32>
    %mul3A_15 = arith.constant 6.250000e-02 : f32
    %mul3A_16 = vector.broadcast %mul3A_15 : f32 to vector<16x50xf32>
    %mul3A_17 = arith.mulf %squeeze3A_14, %mul3A_16 : vector<16x50xf32>
    %slice3A_18 = vector.extract_strided_slice %get3A_2 {offsets = [0, 0, 4], sizes = [16, 50, 1], strides = [1, 1, 1]} : vector<16x50x33xf32> to vector<16x50x1xf32>
    %squeeze3A_19 = vector.shape_cast %slice3A_18 : vector<16x50x1xf32> to vector<16x50xf32>
    %mul3A_20 = arith.constant 6.250000e-02 : f32
    %mul3A_21 = vector.broadcast %mul3A_20 : f32 to vector<16x50xf32>
    %mul3A_22 = arith.mulf %squeeze3A_19, %mul3A_21 : vector<16x50xf32>
    %iota3A = tpu.iota {dimensions = array<i32: 1>} : vector<16x50xi32>
    %lt3A = vector.broadcast %get3A_5 : vector<16x1xi32> to vector<16x50xi32>
    %lt3A_23 = arith.cmpi slt, %iota3A, %lt3A : vector<16x50xi32>
    %ne3A = arith.constant 0.000000e+00 : f32
    %ne3A_24 = vector.broadcast %ne3A : f32 to vector<16x50xf32>
    %ne3A_25 = arith.cmpf one, %mul3A_22, %ne3A_24 : vector<16x50xf32>
    %and3A = arith.andi %lt3A_23, %ne3A_25 : vector<16x50xi1>
    %ne3A_26 = arith.constant 0.000000e+00 : f32
    %ne3A_27 = vector.broadcast %ne3A_26 : f32 to vector<16x50xf32>
    %ne3A_28 = arith.cmpf one, %mul3A_17, %ne3A_27 : vector<16x50xf32>
    %and3A_29 = arith.andi %and3A, %ne3A_28 : vector<16x50xi1>
    %convert_element_type3A = arith.fptosi %mul3A_7 : vector<16x50xf32> to vector<16x50xi32>
    %jit3A = arith.constant 0 : i32
    %jit3A_30 = arith.constant 31 : i32
    %max3A = vector.broadcast %jit3A : i32 to vector<16x50xi32>
    %max3A_31 = arith.maxsi %max3A, %convert_element_type3A : vector<16x50xi32>
    %min3A = vector.broadcast %jit3A_30 : i32 to vector<16x50xi32>
    %min3A_32 = arith.minsi %min3A, %max3A_31 : vector<16x50xi32>
    %convert_element_type3A_33 = arith.fptosi %mul3A_12 : vector<16x50xf32> to vector<16x50xi32>
    %jit3A_34 = arith.constant 0 : i32
    %jit3A_35 = arith.constant 31 : i32
    %max3A_36 = vector.broadcast %jit3A_34 : i32 to vector<16x50xi32>
    %max3A_37 = arith.maxsi %max3A_36, %convert_element_type3A_33 : vector<16x50xi32>
    %min3A_38 = vector.broadcast %jit3A_35 : i32 to vector<16x50xi32>
    %min3A_39 = arith.minsi %min3A_38, %max3A_37 : vector<16x50xi32>
    %add3A = arith.constant 1.000000e+00 : f32
    %add3A_40 = vector.broadcast %add3A : f32 to vector<16x50xf32>
    %add3A_41 = arith.addf %mul3A_22, %add3A_40 : vector<16x50xf32>
    %add3A_42 = arith.constant 1.000000e+00 : f32
    %add3A_43 = vector.broadcast %add3A_42 : f32 to vector<16x50xf32>
    %add3A_44 = arith.addf %mul3A_17, %add3A_43 : vector<16x50xf32>
    %mul3A_45 = arith.mulf %add3A_41, %add3A_44 : vector<16x50xf32>
    %min3A_46 = arith.constant 1.562500e+00 : f32
    %min3A_47 = vector.broadcast %min3A_46 : f32 to vector<16x50xf32>
    %min3A_48 = arith.minimumf %mul3A_22, %min3A_47 : vector<16x50xf32>
    %add3A_49 = arith.constant 1.000000e+00 : f32
    %add3A_50 = vector.broadcast %add3A_49 : f32 to vector<16x50xf32>
    %add3A_51 = arith.addf %min3A_48, %add3A_50 : vector<16x50xf32>
    %jit3A_52 = arith.constant 0.000000e+00 : f32
    %max3A_53 = vector.broadcast %jit3A_52 : f32 to vector<16x50xf32>
    %max3A_54 = arith.maximumf %max3A_53, %add3A_51 : vector<16x50xf32>
    %min3A_55 = arith.constant 3.125000e+00 : f32
    %min3A_56 = vector.broadcast %min3A_55 : f32 to vector<16x50xf32>
    %min3A_57 = arith.minimumf %mul3A_17, %min3A_56 : vector<16x50xf32>
    %add3A_58 = arith.constant 1.000000e+00 : f32
    %add3A_59 = vector.broadcast %add3A_58 : f32 to vector<16x50xf32>
    %add3A_60 = arith.addf %min3A_57, %add3A_59 : vector<16x50xf32>
    %jit3A_61 = arith.constant 0.000000e+00 : f32
    %max3A_62 = vector.broadcast %jit3A_61 : f32 to vector<16x50xf32>
    %max3A_63 = arith.maximumf %max3A_62, %add3A_60 : vector<16x50xf32>
    %mul3A_64 = arith.mulf %max3A_54, %max3A_63 : vector<16x50xf32>
    %add3A_65 = arith.constant 10.5703125 : f32
    %add3A_66 = vector.broadcast %add3A_65 : f32 to vector<16x50xf32>
    %add3A_67 = arith.addf %mul3A_45, %add3A_66 : vector<16x50xf32>
    %sub3A = arith.subf %add3A_67, %mul3A_64 : vector<16x50xf32>
    %add3A_68 = arith.constant 1.000000e-16 : f32
    %add3A_69 = vector.broadcast %add3A_68 : f32 to vector<16x50xf32>
    %add3A_70 = arith.addf %sub3A, %add3A_69 : vector<16x50xf32>
    %div3A = arith.divf %mul3A_64, %add3A_70 : vector<16x50xf32>
    %min3A_71 = arith.constant 3.125000e+00 : f32
    %min3A_72 = vector.broadcast %min3A_71 : f32 to vector<16x50xf32>
    %min3A_73 = arith.minimumf %mul3A_22, %min3A_72 : vector<16x50xf32>
    %add3A_74 = arith.constant 1.000000e+00 : f32
    %add3A_75 = vector.broadcast %add3A_74 : f32 to vector<16x50xf32>
    %add3A_76 = arith.addf %min3A_73, %add3A_75 : vector<16x50xf32>
    %jit3A_77 = arith.constant 0.000000e+00 : f32
    %max3A_78 = vector.broadcast %jit3A_77 : f32 to vector<16x50xf32>
    %max3A_79 = arith.maximumf %max3A_78, %add3A_76 : vector<16x50xf32>
    %min3A_80 = arith.constant 6.250000e+00 : f32
    %min3A_81 = vector.broadcast %min3A_80 : f32 to vector<16x50xf32>
    %min3A_82 = arith.minimumf %mul3A_17, %min3A_81 : vector<16x50xf32>
    %add3A_83 = arith.constant 1.000000e+00 : f32
    %add3A_84 = vector.broadcast %add3A_83 : f32 to vector<16x50xf32>
    %add3A_85 = arith.addf %min3A_82, %add3A_84 : vector<16x50xf32>
    %jit3A_86 = arith.constant 0.000000e+00 : f32
    %max3A_87 = vector.broadcast %jit3A_86 : f32 to vector<16x50xf32>
    %max3A_88 = arith.maximumf %max3A_87, %add3A_85 : vector<16x50xf32>
    %mul3A_89 = arith.mulf %max3A_79, %max3A_88 : vector<16x50xf32>
    %add3A_90 = arith.constant 29.90625 : f32
    %add3A_91 = vector.broadcast %add3A_90 : f32 to vector<16x50xf32>
    %add3A_92 = arith.addf %mul3A_45, %add3A_91 : vector<16x50xf32>
    %sub3A_93 = arith.subf %add3A_92, %mul3A_89 : vector<16x50xf32>
    %add3A_94 = arith.constant 1.000000e-16 : f32
    %add3A_95 = vector.broadcast %add3A_94 : f32 to vector<16x50xf32>
    %add3A_96 = arith.addf %sub3A_93, %add3A_95 : vector<16x50xf32>
    %div3A_97 = arith.divf %mul3A_89, %add3A_96 : vector<16x50xf32>
    %min3A_98 = arith.constant 6.250000e+00 : f32
    %min3A_99 = vector.broadcast %min3A_98 : f32 to vector<16x50xf32>
    %min3A_100 = arith.minimumf %mul3A_22, %min3A_99 : vector<16x50xf32>
    %add3A_101 = arith.constant 1.000000e+00 : f32
    %add3A_102 = vector.broadcast %add3A_101 : f32 to vector<16x50xf32>
    %add3A_103 = arith.addf %min3A_100, %add3A_102 : vector<16x50xf32>
    %jit3A_104 = arith.constant 0.000000e+00 : f32
    %max3A_105 = vector.broadcast %jit3A_104 : f32 to vector<16x50xf32>
    %max3A_106 = arith.maximumf %max3A_105, %add3A_103 : vector<16x50xf32>
    %min3A_107 = arith.constant 1.250000e+01 : f32
    %min3A_108 = vector.broadcast %min3A_107 : f32 to vector<16x50xf32>
    %min3A_109 = arith.minimumf %mul3A_17, %min3A_108 : vector<16x50xf32>
    %add3A_110 = arith.constant 1.000000e+00 : f32
    %add3A_111 = vector.broadcast %add3A_110 : f32 to vector<16x50xf32>
    %add3A_112 = arith.addf %min3A_109, %add3A_111 : vector<16x50xf32>
    %jit3A_113 = arith.constant 0.000000e+00 : f32
    %max3A_114 = vector.broadcast %jit3A_113 : f32 to vector<16x50xf32>
    %max3A_115 = arith.maximumf %max3A_114, %add3A_112 : vector<16x50xf32>
    %mul3A_116 = arith.mulf %max3A_106, %max3A_115 : vector<16x50xf32>
    %add3A_117 = arith.constant 9.787500e+01 : f32
    %add3A_118 = vector.broadcast %add3A_117 : f32 to vector<16x50xf32>
    %add3A_119 = arith.addf %mul3A_45, %add3A_118 : vector<16x50xf32>
    %sub3A_120 = arith.subf %add3A_119, %mul3A_116 : vector<16x50xf32>
    %add3A_121 = arith.constant 1.000000e-16 : f32
    %add3A_122 = vector.broadcast %add3A_121 : f32 to vector<16x50xf32>
    %add3A_123 = arith.addf %sub3A_120, %add3A_122 : vector<16x50xf32>
    %div3A_124 = arith.divf %mul3A_116, %add3A_123 : vector<16x50xf32>
    %min3A_125 = arith.constant 1.250000e+01 : f32
    %min3A_126 = vector.broadcast %min3A_125 : f32 to vector<16x50xf32>
    %min3A_127 = arith.minimumf %mul3A_22, %min3A_126 : vector<16x50xf32>
    %add3A_128 = arith.constant 1.000000e+00 : f32
    %add3A_129 = vector.broadcast %add3A_128 : f32 to vector<16x50xf32>
    %add3A_130 = arith.addf %min3A_127, %add3A_129 : vector<16x50xf32>
    %jit3A_131 = arith.constant 0.000000e+00 : f32
    %max3A_132 = vector.broadcast %jit3A_131 : f32 to vector<16x50xf32>
    %max3A_133 = arith.maximumf %max3A_132, %add3A_130 : vector<16x50xf32>
    %min3A_134 = arith.constant 7.500000e+00 : f32
    %min3A_135 = vector.broadcast %min3A_134 : f32 to vector<16x50xf32>
    %min3A_136 = arith.minimumf %mul3A_17, %min3A_135 : vector<16x50xf32>
    %add3A_137 = arith.constant 1.000000e+00 : f32
    %add3A_138 = vector.broadcast %add3A_137 : f32 to vector<16x50xf32>
    %add3A_139 = arith.addf %min3A_136, %add3A_138 : vector<16x50xf32>
    %jit3A_140 = arith.constant 0.000000e+00 : f32
    %max3A_141 = vector.broadcast %jit3A_140 : f32 to vector<16x50xf32>
    %max3A_142 = arith.maximumf %max3A_141, %add3A_139 : vector<16x50xf32>
    %mul3A_143 = arith.mulf %max3A_133, %max3A_142 : vector<16x50xf32>
    %add3A_144 = arith.constant 1.147500e+02 : f32
    %add3A_145 = vector.broadcast %add3A_144 : f32 to vector<16x50xf32>
    %add3A_146 = arith.addf %mul3A_45, %add3A_145 : vector<16x50xf32>
    %sub3A_147 = arith.subf %add3A_146, %mul3A_143 : vector<16x50xf32>
    %add3A_148 = arith.constant 1.000000e-16 : f32
    %add3A_149 = vector.broadcast %add3A_148 : f32 to vector<16x50xf32>
    %add3A_150 = arith.addf %sub3A_147, %add3A_149 : vector<16x50xf32>
    %div3A_151 = arith.divf %mul3A_143, %add3A_150 : vector<16x50xf32>
    %min3A_152 = arith.constant 2.000000e+01 : f32
    %min3A_153 = vector.broadcast %min3A_152 : f32 to vector<16x50xf32>
    %min3A_154 = arith.minimumf %mul3A_22, %min3A_153 : vector<16x50xf32>
    %add3A_155 = arith.constant 1.000000e+00 : f32
    %add3A_156 = vector.broadcast %add3A_155 : f32 to vector<16x50xf32>
    %add3A_157 = arith.addf %min3A_154, %add3A_156 : vector<16x50xf32>
    %jit3A_158 = arith.constant 0.000000e+00 : f32
    %max3A_159 = vector.broadcast %jit3A_158 : f32 to vector<16x50xf32>
    %max3A_160 = arith.maximumf %max3A_159, %add3A_157 : vector<16x50xf32>
    %min3A_161 = arith.constant 2.000000e+01 : f32
    %min3A_162 = vector.broadcast %min3A_161 : f32 to vector<16x50xf32>
    %min3A_163 = arith.minimumf %mul3A_17, %min3A_162 : vector<16x50xf32>
    %add3A_164 = arith.constant 1.000000e+00 : f32
    %add3A_165 = vector.broadcast %add3A_164 : f32 to vector<16x50xf32>
    %add3A_166 = arith.addf %min3A_163, %add3A_165 : vector<16x50xf32>
    %jit3A_167 = arith.constant 0.000000e+00 : f32
    %max3A_168 = vector.broadcast %jit3A_167 : f32 to vector<16x50xf32>
    %max3A_169 = arith.maximumf %max3A_168, %add3A_166 : vector<16x50xf32>
    %mul3A_170 = arith.mulf %max3A_160, %max3A_169 : vector<16x50xf32>
    %add3A_171 = arith.constant 4.410000e+02 : f32
    %add3A_172 = vector.broadcast %add3A_171 : f32 to vector<16x50xf32>
    %add3A_173 = arith.addf %mul3A_45, %add3A_172 : vector<16x50xf32>
    %sub3A_174 = arith.subf %add3A_173, %mul3A_170 : vector<16x50xf32>
    %add3A_175 = arith.constant 1.000000e-16 : f32
    %add3A_176 = vector.broadcast %add3A_175 : f32 to vector<16x50xf32>
    %add3A_177 = arith.addf %sub3A_174, %add3A_176 : vector<16x50xf32>
    %div3A_178 = arith.divf %mul3A_170, %add3A_177 : vector<16x50xf32>
    %broadcast_in_dim3A = arith.constant 0 : i32
    %broadcast_in_dim3A_179 = vector.broadcast %broadcast_in_dim3A : i32 to vector<16x50xi32>
    %gt3A = arith.cmpf ogt, %div3A_97, %div3A : vector<16x50xf32>
    %jit3A_180 = arith.constant 1 : i32
    %broadcast_in_dim3A_181 = vector.broadcast %jit3A_180 : i32 to vector<16x50xi32>
    %select_n3A = arith.select %gt3A, %broadcast_in_dim3A_181, %broadcast_in_dim3A_179 : vector<16x50xi1>, vector<16x50xi32>
    %select_n3A_182 = arith.select %gt3A, %div3A_97, %div3A : vector<16x50xi1>, vector<16x50xf32>
    %gt3A_183 = arith.cmpf ogt, %div3A_124, %select_n3A_182 : vector<16x50xf32>
    %jit3A_184 = arith.constant 2 : i32
    %broadcast_in_dim3A_185 = vector.broadcast %jit3A_184 : i32 to vector<16x50xi32>
    %select_n3A_186 = arith.select %gt3A_183, %broadcast_in_dim3A_185, %select_n3A : vector<16x50xi1>, vector<16x50xi32>
    %select_n3A_187 = arith.select %gt3A_183, %div3A_124, %select_n3A_182 : vector<16x50xi1>, vector<16x50xf32>
    %gt3A_188 = arith.cmpf ogt, %div3A_151, %select_n3A_187 : vector<16x50xf32>
    %jit3A_189 = arith.constant 3 : i32
    %broadcast_in_dim3A_190 = vector.broadcast %jit3A_189 : i32 to vector<16x50xi32>
    %select_n3A_191 = arith.select %gt3A_188, %broadcast_in_dim3A_190, %select_n3A_186 : vector<16x50xi1>, vector<16x50xi32>
    %select_n3A_192 = arith.select %gt3A_188, %div3A_151, %select_n3A_187 : vector<16x50xi1>, vector<16x50xf32>
    %gt3A_193 = arith.cmpf ogt, %div3A_178, %select_n3A_192 : vector<16x50xf32>
    %jit3A_194 = arith.constant 4 : i32
    %broadcast_in_dim3A_195 = vector.broadcast %jit3A_194 : i32 to vector<16x50xi32>
    %select_n3A_196 = arith.select %gt3A_193, %broadcast_in_dim3A_195, %select_n3A_191 : vector<16x50xi1>, vector<16x50xi32>
    %convert_element_type3A_197 = arith.extui %and3A_29 : vector<16x50xi1> to vector<16x50xi32>
    %convert_element_type3A_198 = arith.sitofp %convert_element_type3A_197 : vector<16x50xi32> to vector<16x50xf32>
    %gt3A_199 = arith.constant 5.000000e-01 : f32
    %gt3A_200 = vector.broadcast %gt3A_199 : f32 to vector<16x50xf32>
    %gt3A_201 = arith.cmpf ogt, %div3A, %gt3A_200 : vector<16x50xf32>
    %and3A_202 = arith.andi %gt3A_201, %and3A_29 : vector<16x50xi1>
    %convert_element_type3A_203 = arith.extui %and3A_202 : vector<16x50xi1> to vector<16x50xi32>
    %convert_element_type3A_204 = arith.sitofp %convert_element_type3A_203 : vector<16x50xi32> to vector<16x50xf32>
    %gt3A_205 = arith.constant 5.000000e-01 : f32
    %gt3A_206 = vector.broadcast %gt3A_205 : f32 to vector<16x50xf32>
    %gt3A_207 = arith.cmpf ogt, %div3A_97, %gt3A_206 : vector<16x50xf32>
    %and3A_208 = arith.andi %gt3A_207, %and3A_29 : vector<16x50xi1>
    %convert_element_type3A_209 = arith.extui %and3A_208 : vector<16x50xi1> to vector<16x50xi32>
    %convert_element_type3A_210 = arith.sitofp %convert_element_type3A_209 : vector<16x50xi32> to vector<16x50xf32>
    %gt3A_211 = arith.constant 5.000000e-01 : f32
    %gt3A_212 = vector.broadcast %gt3A_211 : f32 to vector<16x50xf32>
    %gt3A_213 = arith.cmpf ogt, %div3A_124, %gt3A_212 : vector<16x50xf32>
    %and3A_214 = arith.andi %gt3A_213, %and3A_29 : vector<16x50xi1>
    %convert_element_type3A_215 = arith.extui %and3A_214 : vector<16x50xi1> to vector<16x50xi32>
    %convert_element_type3A_216 = arith.sitofp %convert_element_type3A_215 : vector<16x50xi32> to vector<16x50xf32>
    %gt3A_217 = arith.constant 5.000000e-01 : f32
    %gt3A_218 = vector.broadcast %gt3A_217 : f32 to vector<16x50xf32>
    %gt3A_219 = arith.cmpf ogt, %div3A_151, %gt3A_218 : vector<16x50xf32>
    %and3A_220 = arith.andi %gt3A_219, %and3A_29 : vector<16x50xi1>
    %convert_element_type3A_221 = arith.extui %and3A_220 : vector<16x50xi1> to vector<16x50xi32>
    %convert_element_type3A_222 = arith.sitofp %convert_element_type3A_221 : vector<16x50xi32> to vector<16x50xf32>
    %gt3A_223 = arith.constant 5.000000e-01 : f32
    %gt3A_224 = vector.broadcast %gt3A_223 : f32 to vector<16x50xf32>
    %gt3A_225 = arith.cmpf ogt, %div3A_178, %gt3A_224 : vector<16x50xf32>
    %and3A_226 = arith.andi %gt3A_225, %and3A_29 : vector<16x50xi1>
    %convert_element_type3A_227 = arith.extui %and3A_226 : vector<16x50xi1> to vector<16x50xi32>
    %convert_element_type3A_228 = arith.sitofp %convert_element_type3A_227 : vector<16x50xi32> to vector<16x50xf32>
    %broadcast_in_dim3A_229 = arith.constant 1.562500e+00 : f32
    %broadcast_in_dim3A_230 = vector.broadcast %broadcast_in_dim3A_229 : f32 to vector<16x50xf32>
    %broadcast_in_dim3A_231 = arith.constant 3.125000e+00 : f32
    %broadcast_in_dim3A_232 = vector.broadcast %broadcast_in_dim3A_231 : f32 to vector<16x50xf32>
    %eq3A = arith.constant 1 : i32
    %eq3A_233 = vector.broadcast %eq3A : i32 to vector<16x50xi32>
    %eq3A_234 = arith.cmpi eq, %select_n3A_196, %eq3A_233 : vector<16x50xi32>
    %jit3A_235 = arith.constant 3.125000e+00 : f32
    %broadcast_in_dim3A_236 = vector.broadcast %jit3A_235 : f32 to vector<16x50xf32>
    %select_n3A_237 = arith.select %eq3A_234, %broadcast_in_dim3A_236, %broadcast_in_dim3A_230 : vector<16x50xi1>, vector<16x50xf32>
    %jit3A_238 = arith.constant 6.250000e+00 : f32
    %broadcast_in_dim3A_239 = vector.broadcast %jit3A_238 : f32 to vector<16x50xf32>
    %select_n3A_240 = arith.select %eq3A_234, %broadcast_in_dim3A_239, %broadcast_in_dim3A_232 : vector<16x50xi1>, vector<16x50xf32>
    %eq3A_241 = arith.constant 2 : i32
    %eq3A_242 = vector.broadcast %eq3A_241 : i32 to vector<16x50xi32>
    %eq3A_243 = arith.cmpi eq, %select_n3A_196, %eq3A_242 : vector<16x50xi32>
    %jit3A_244 = arith.constant 6.250000e+00 : f32
    %broadcast_in_dim3A_245 = vector.broadcast %jit3A_244 : f32 to vector<16x50xf32>
    %select_n3A_246 = arith.select %eq3A_243, %broadcast_in_dim3A_245, %select_n3A_237 : vector<16x50xi1>, vector<16x50xf32>
    %jit3A_247 = arith.constant 1.250000e+01 : f32
    %broadcast_in_dim3A_248 = vector.broadcast %jit3A_247 : f32 to vector<16x50xf32>
    %select_n3A_249 = arith.select %eq3A_243, %broadcast_in_dim3A_248, %select_n3A_240 : vector<16x50xi1>, vector<16x50xf32>
    %eq3A_250 = arith.constant 3 : i32
    %eq3A_251 = vector.broadcast %eq3A_250 : i32 to vector<16x50xi32>
    %eq3A_252 = arith.cmpi eq, %select_n3A_196, %eq3A_251 : vector<16x50xi32>
    %jit3A_253 = arith.constant 1.250000e+01 : f32
    %broadcast_in_dim3A_254 = vector.broadcast %jit3A_253 : f32 to vector<16x50xf32>
    %select_n3A_255 = arith.select %eq3A_252, %broadcast_in_dim3A_254, %select_n3A_246 : vector<16x50xi1>, vector<16x50xf32>
    %jit3A_256 = arith.constant 7.500000e+00 : f32
    %broadcast_in_dim3A_257 = vector.broadcast %jit3A_256 : f32 to vector<16x50xf32>
    %select_n3A_258 = arith.select %eq3A_252, %broadcast_in_dim3A_257, %select_n3A_249 : vector<16x50xi1>, vector<16x50xf32>
    %eq3A_259 = arith.constant 4 : i32
    %eq3A_260 = vector.broadcast %eq3A_259 : i32 to vector<16x50xi32>
    %eq3A_261 = arith.cmpi eq, %select_n3A_196, %eq3A_260 : vector<16x50xi32>
    %jit3A_262 = arith.constant 2.000000e+01 : f32
    %broadcast_in_dim3A_263 = vector.broadcast %jit3A_262 : f32 to vector<16x50xf32>
    %select_n3A_264 = arith.select %eq3A_261, %broadcast_in_dim3A_263, %select_n3A_255 : vector<16x50xi1>, vector<16x50xf32>
    %jit3A_265 = arith.constant 2.000000e+01 : f32
    %broadcast_in_dim3A_266 = vector.broadcast %jit3A_265 : f32 to vector<16x50xf32>
    %select_n3A_267 = arith.select %eq3A_261, %broadcast_in_dim3A_266, %select_n3A_258 : vector<16x50xi1>, vector<16x50xf32>
    %convert_element_type3A_268 = arith.sitofp %min3A_32 : vector<16x50xi32> to vector<16x50xf32>
    %add3A_269 = arith.constant 5.000000e-01 : f32
    %add3A_270 = vector.broadcast %add3A_269 : f32 to vector<16x50xf32>
    %add3A_271 = arith.addf %convert_element_type3A_268, %add3A_270 : vector<16x50xf32>
    %sub3A_272 = arith.subf %mul3A_7, %add3A_271 : vector<16x50xf32>
    %jit3A_273 = arith.constant -0.999998986 : f32
    %jit3A_274 = arith.constant 0.999998986 : f32
    %max3A_275 = vector.broadcast %jit3A_273 : f32 to vector<16x50xf32>
    %max3A_276 = arith.maximumf %max3A_275, %sub3A_272 : vector<16x50xf32>
    %min3A_277 = vector.broadcast %jit3A_274 : f32 to vector<16x50xf32>
    %min3A_278 = arith.minimumf %min3A_277, %max3A_276 : vector<16x50xf32>
    %add3A_279 = arith.constant 1.000000e+00 : f32
    %add3A_280 = vector.broadcast %add3A_279 : f32 to vector<16x50xf32>
    %add3A_281 = arith.addf %add3A_280, %min3A_278 : vector<16x50xf32>
    %sub3A_282 = arith.constant 1.000000e+00 : f32
    %sub3A_283 = vector.broadcast %sub3A_282 : f32 to vector<16x50xf32>
    %sub3A_284 = arith.subf %sub3A_283, %min3A_278 : vector<16x50xf32>
    %div3A_285 = arith.divf %add3A_281, %sub3A_284 : vector<16x50xf32>
    %log3A = math.log %div3A_285 : vector<16x50xf32>
    %mul3A_286 = arith.constant 5.000000e-01 : f32
    %mul3A_287 = vector.broadcast %mul3A_286 : f32 to vector<16x50xf32>
    %mul3A_288 = arith.mulf %mul3A_287, %log3A : vector<16x50xf32>
    %le3A = arith.constant -1.000000e+00 : f32
    %le3A_289 = vector.broadcast %le3A : f32 to vector<16x50xf32>
    %le3A_290 = arith.cmpf ole, %sub3A_272, %le3A_289 : vector<16x50xf32>
    %ge3A = arith.constant 1.000000e+00 : f32
    %ge3A_291 = vector.broadcast %ge3A : f32 to vector<16x50xf32>
    %ge3A_292 = arith.cmpf oge, %sub3A_272, %ge3A_291 : vector<16x50xf32>
    %jit3A_293 = arith.constant 2.000000e+00 : f32
    %broadcast_in_dim3A_294 = vector.broadcast %jit3A_293 : f32 to vector<16x50xf32>
    %select_n3A_295 = arith.select %ge3A_292, %broadcast_in_dim3A_294, %mul3A_288 : vector<16x50xi1>, vector<16x50xf32>
    %jit3A_296 = arith.constant -2.000000e+00 : f32
    %broadcast_in_dim3A_297 = vector.broadcast %jit3A_296 : f32 to vector<16x50xf32>
    %select_n3A_298 = arith.select %le3A_290, %broadcast_in_dim3A_297, %select_n3A_295 : vector<16x50xi1>, vector<16x50xf32>
    %convert_element_type3A_299 = arith.sitofp %min3A_39 : vector<16x50xi32> to vector<16x50xf32>
    %add3A_300 = arith.constant 5.000000e-01 : f32
    %add3A_301 = vector.broadcast %add3A_300 : f32 to vector<16x50xf32>
    %add3A_302 = arith.addf %convert_element_type3A_299, %add3A_301 : vector<16x50xf32>
    %sub3A_303 = arith.subf %mul3A_12, %add3A_302 : vector<16x50xf32>
    %jit3A_304 = arith.constant -0.999998986 : f32
    %jit3A_305 = arith.constant 0.999998986 : f32
    %max3A_306 = vector.broadcast %jit3A_304 : f32 to vector<16x50xf32>
    %max3A_307 = arith.maximumf %max3A_306, %sub3A_303 : vector<16x50xf32>
    %min3A_308 = vector.broadcast %jit3A_305 : f32 to vector<16x50xf32>
    %min3A_309 = arith.minimumf %min3A_308, %max3A_307 : vector<16x50xf32>
    %add3A_310 = arith.constant 1.000000e+00 : f32
    %add3A_311 = vector.broadcast %add3A_310 : f32 to vector<16x50xf32>
    %add3A_312 = arith.addf %add3A_311, %min3A_309 : vector<16x50xf32>
    %sub3A_313 = arith.constant 1.000000e+00 : f32
    %sub3A_314 = vector.broadcast %sub3A_313 : f32 to vector<16x50xf32>
    %sub3A_315 = arith.subf %sub3A_314, %min3A_309 : vector<16x50xf32>
    %div3A_316 = arith.divf %add3A_312, %sub3A_315 : vector<16x50xf32>
    %log3A_317 = math.log %div3A_316 : vector<16x50xf32>
    %mul3A_318 = arith.constant 5.000000e-01 : f32
    %mul3A_319 = vector.broadcast %mul3A_318 : f32 to vector<16x50xf32>
    %mul3A_320 = arith.mulf %mul3A_319, %log3A_317 : vector<16x50xf32>
    %le3A_321 = arith.constant -1.000000e+00 : f32
    %le3A_322 = vector.broadcast %le3A_321 : f32 to vector<16x50xf32>
    %le3A_323 = arith.cmpf ole, %sub3A_303, %le3A_322 : vector<16x50xf32>
    %ge3A_324 = arith.constant 1.000000e+00 : f32
    %ge3A_325 = vector.broadcast %ge3A_324 : f32 to vector<16x50xf32>
    %ge3A_326 = arith.cmpf oge, %sub3A_303, %ge3A_325 : vector<16x50xf32>
    %jit3A_327 = arith.constant 2.000000e+00 : f32
    %broadcast_in_dim3A_328 = vector.broadcast %jit3A_327 : f32 to vector<16x50xf32>
    %select_n3A_329 = arith.select %ge3A_326, %broadcast_in_dim3A_328, %mul3A_320 : vector<16x50xi1>, vector<16x50xf32>
    %jit3A_330 = arith.constant -2.000000e+00 : f32
    %broadcast_in_dim3A_331 = vector.broadcast %jit3A_330 : f32 to vector<16x50xf32>
    %select_n3A_332 = arith.select %le3A_323, %broadcast_in_dim3A_331, %select_n3A_329 : vector<16x50xi1>, vector<16x50xf32>
    %div3A_333 = arith.divf %mul3A_22, %select_n3A_264 : vector<16x50xf32>
    %add3A_334 = arith.constant 1.000000e-16 : f32
    %add3A_335 = vector.broadcast %add3A_334 : f32 to vector<16x50xf32>
    %add3A_336 = arith.addf %div3A_333, %add3A_335 : vector<16x50xf32>
    %log3A_337 = math.log %add3A_336 : vector<16x50xf32>
    %div3A_338 = arith.divf %mul3A_17, %select_n3A_267 : vector<16x50xf32>
    %add3A_339 = arith.constant 1.000000e-16 : f32
    %add3A_340 = vector.broadcast %add3A_339 : f32 to vector<16x50xf32>
    %add3A_341 = arith.addf %div3A_338, %add3A_340 : vector<16x50xf32>
    %log3A_342 = math.log %add3A_341 : vector<16x50xf32>
    %iota3A_343 = tpu.iota {dimensions = array<i32: 2>} : vector<16x50x20xi32>
    %convert_element_type3A_344 = arith.sitofp %iota3A_343 : vector<16x50x20xi32> to vector<16x50x20xf32>
    %slice3A_345 = vector.extract_strided_slice %get3A_2 {offsets = [0, 0, 13], sizes = [16, 50, 20], strides = [1, 1, 1]} : vector<16x50x33xf32> to vector<16x50x20xf32>
    %mul3A_346 = arith.mulf %slice3A_345, %convert_element_type3A_344 : vector<16x50x20xf32>
    %reduce_sum3A = arith.constant dense<0.000000e+00> : vector<16x50xf32>
    %reduce_sum3A_347 = vector.multi_reduction <add>, %mul3A_346, %reduce_sum3A [2] : vector<16x50x20xf32> to vector<16x50xf32>
    %mul3A_348 = arith.constant 32 : i32
    %mul3A_349 = vector.broadcast %mul3A_348 : i32 to vector<16x50xi32>
    %mul3A_350 = arith.muli %min3A_39, %mul3A_349 : vector<16x50xi32>
    %add3A_351 = arith.addi %mul3A_350, %min3A_32 : vector<16x50xi32>
    %convert_element_type3A_352 = arith.sitofp %add3A_351 : vector<16x50xi32> to vector<16x50xf32>
    %mul3A_353 = arith.constant 7168 : i32
    %mul3A_354 = vector.broadcast %mul3A_353 : i32 to vector<16x50xi32>
    %mul3A_355 = arith.muli %select_n3A_196, %mul3A_354 : vector<16x50xi32>
    %convert_element_type3A_356 = arith.sitofp %mul3A_355 : vector<16x50xi32> to vector<16x50xf32>
    %add3A_357 = arith.addf %convert_element_type3A_356, %convert_element_type3A_352 : vector<16x50xf32>
    %broadcast_in_dim3A_358 = arith.constant 0.000000e+00 : f32
    %broadcast_in_dim3A_359 = vector.broadcast %broadcast_in_dim3A_358 : f32 to vector<16x50xf32>
    %broadcast_in_dim3A_360 = arith.constant 0.000000e+00 : f32
    %broadcast_in_dim3A_361 = vector.broadcast %broadcast_in_dim3A_360 : f32 to vector<16x78xf32>
    %concatenate3A = tpu.concatenate %convert_element_type3A_198, %broadcast_in_dim3A_361 in 1 : vector<16x50xf32>, vector<16x78xf32> -> vector<16x128xf32>
    %swap3A = arith.constant 0 : index
    %swap3A_362 = arith.constant 0 : index
    %swap3A_363 = arith.constant 0 : index
    %swap3A_364 = vector.load %arg2[%swap3A, %swap3A_362, %swap3A_363] : memref<16x16x128xf32, #tpu.memory_space<vmem>>, vector<1x16x128xf32>
    %swap3A_365 = vector.shape_cast %swap3A_364 : vector<1x16x128xf32> to vector<16x128xf32>
    %swap3A_366 = vector.shape_cast %concatenate3A : vector<16x128xf32> to vector<1x16x128xf32>
    tpu.vector_store %arg2[%swap3A, %swap3A_362, %swap3A_363], %swap3A_366 {strides = array<i32>} : memref<16x16x128xf32, #tpu.memory_space<vmem>>, vector<1x16x128xf32>,
    %concatenate3A_367 = tpu.concatenate %select_n3A_298, %broadcast_in_dim3A_361 in 1 : vector<16x50xf32>, vector<16x78xf32> -> vector<16x128xf32>
    %swap3A_368 = arith.constant 1 : index
    %swap3A_369 = arith.constant 0 : index
    %swap3A_370 = arith.constant 0 : index
    %swap3A_371 = vector.load %arg2[%swap3A_368, %swap3A_369, %swap3A_370] : memref<16x16x128xf32, #tpu.memory_space<vmem>>, vector<1x16x128xf32>
    %swap3A_372 = vector.shape_cast %swap3A_371 : vector<1x16x128xf32> to vector<16x128xf32>
    %swap3A_373 = vector.shape_cast %concatenate3A_367 : vector<16x128xf32> to vector<1x16x128xf32>
    tpu.vector_store %arg2[%swap3A_368, %swap3A_369, %swap3A_370], %swap3A_373 {strides = array<i32>} : memref<16x16x128xf32, #tpu.memory_space<vmem>>, vector<1x16x128xf32>,
    %concatenate3A_374 = tpu.concatenate %select_n3A_332, %broadcast_in_dim3A_361 in 1 : vector<16x50xf32>, vector<16x78xf32> -> vector<16x128xf32>
    %swap3A_375 = arith.constant 2 : index
    %swap3A_376 = arith.constant 0 : index
    %swap3A_377 = arith.constant 0 : index
    %swap3A_378 = vector.load %arg2[%swap3A_375, %swap3A_376, %swap3A_377] : memref<16x16x128xf32, #tpu.memory_space<vmem>>, vector<1x16x128xf32>
    %swap3A_379 = vector.shape_cast %swap3A_378 : vector<1x16x128xf32> to vector<16x128xf32>
    %swap3A_380 = vector.shape_cast %concatenate3A_374 : vector<16x128xf32> to vector<1x16x128xf32>
    tpu.vector_store %arg2[%swap3A_375, %swap3A_376, %swap3A_377], %swap3A_380 {strides = array<i32>} : memref<16x16x128xf32, #tpu.memory_space<vmem>>, vector<1x16x128xf32>,
    %concatenate3A_381 = tpu.concatenate %log3A_337, %broadcast_in_dim3A_361 in 1 : vector<16x50xf32>, vector<16x78xf32> -> vector<16x128xf32>
    %swap3A_382 = arith.constant 3 : index
    %swap3A_383 = arith.constant 0 : index
    %swap3A_384 = arith.constant 0 : index
    %swap3A_385 = vector.load %arg2[%swap3A_382, %swap3A_383, %swap3A_384] : memref<16x16x128xf32, #tpu.memory_space<vmem>>, vector<1x16x128xf32>
    %swap3A_386 = vector.shape_cast %swap3A_385 : vector<1x16x128xf32> to vector<16x128xf32>
    %swap3A_387 = vector.shape_cast %concatenate3A_381 : vector<16x128xf32> to vector<1x16x128xf32>
    tpu.vector_store %arg2[%swap3A_382, %swap3A_383, %swap3A_384], %swap3A_387 {strides = array<i32>} : memref<16x16x128xf32, #tpu.memory_space<vmem>>, vector<1x16x128xf32>,
    %concatenate3A_388 = tpu.concatenate %log3A_342, %broadcast_in_dim3A_361 in 1 : vector<16x50xf32>, vector<16x78xf32> -> vector<16x128xf32>
    %swap3A_389 = arith.constant 4 : index
    %swap3A_390 = arith.constant 0 : index
    %swap3A_391 = arith.constant 0 : index
    %swap3A_392 = vector.load %arg2[%swap3A_389, %swap3A_390, %swap3A_391] : memref<16x16x128xf32, #tpu.memory_space<vmem>>, vector<1x16x128xf32>
    %swap3A_393 = vector.shape_cast %swap3A_392 : vector<1x16x128xf32> to vector<16x128xf32>
    %swap3A_394 = vector.shape_cast %concatenate3A_388 : vector<16x128xf32> to vector<1x16x128xf32>
    tpu.vector_store %arg2[%swap3A_389, %swap3A_390, %swap3A_391], %swap3A_394 {strides = array<i32>} : memref<16x16x128xf32, #tpu.memory_space<vmem>>, vector<1x16x128xf32>,
    %concatenate3A_395 = tpu.concatenate %reduce_sum3A_347, %broadcast_in_dim3A_361 in 1 : vector<16x50xf32>, vector<16x78xf32> -> vector<16x128xf32>
    %swap3A_396 = arith.constant 5 : index
    %swap3A_397 = arith.constant 0 : index
    %swap3A_398 = arith.constant 0 : index
    %swap3A_399 = vector.load %arg2[%swap3A_396, %swap3A_397, %swap3A_398] : memref<16x16x128xf32, #tpu.memory_space<vmem>>, vector<1x16x128xf32>
    %swap3A_400 = vector.shape_cast %swap3A_399 : vector<1x16x128xf32> to vector<16x128xf32>
    %swap3A_401 = vector.shape_cast %concatenate3A_395 : vector<16x128xf32> to vector<1x16x128xf32>
    tpu.vector_store %arg2[%swap3A_396, %swap3A_397, %swap3A_398], %swap3A_401 {strides = array<i32>} : memref<16x16x128xf32, #tpu.memory_space<vmem>>, vector<1x16x128xf32>,
    %concatenate3A_402 = tpu.concatenate %convert_element_type3A_204, %broadcast_in_dim3A_361 in 1 : vector<16x50xf32>, vector<16x78xf32> -> vector<16x128xf32>
    %swap3A_403 = arith.constant 6 : index
    %swap3A_404 = arith.constant 0 : index
    %swap3A_405 = arith.constant 0 : index
    %swap3A_406 = vector.load %arg2[%swap3A_403, %swap3A_404, %swap3A_405] : memref<16x16x128xf32, #tpu.memory_space<vmem>>, vector<1x16x128xf32>
    %swap3A_407 = vector.shape_cast %swap3A_406 : vector<1x16x128xf32> to vector<16x128xf32>
    %swap3A_408 = vector.shape_cast %concatenate3A_402 : vector<16x128xf32> to vector<1x16x128xf32>
    tpu.vector_store %arg2[%swap3A_403, %swap3A_404, %swap3A_405], %swap3A_408 {strides = array<i32>} : memref<16x16x128xf32, #tpu.memory_space<vmem>>, vector<1x16x128xf32>,
    %concatenate3A_409 = tpu.concatenate %convert_element_type3A_210, %broadcast_in_dim3A_361 in 1 : vector<16x50xf32>, vector<16x78xf32> -> vector<16x128xf32>
    %swap3A_410 = arith.constant 7 : index
    %swap3A_411 = arith.constant 0 : index
    %swap3A_412 = arith.constant 0 : index
    %swap3A_413 = vector.load %arg2[%swap3A_410, %swap3A_411, %swap3A_412] : memref<16x16x128xf32, #tpu.memory_space<vmem>>, vector<1x16x128xf32>
    %swap3A_414 = vector.shape_cast %swap3A_413 : vector<1x16x128xf32> to vector<16x128xf32>
    %swap3A_415 = vector.shape_cast %concatenate3A_409 : vector<16x128xf32> to vector<1x16x128xf32>
    tpu.vector_store %arg2[%swap3A_410, %swap3A_411, %swap3A_412], %swap3A_415 {strides = array<i32>} : memref<16x16x128xf32, #tpu.memory_space<vmem>>, vector<1x16x128xf32>,
    %concatenate3A_416 = tpu.concatenate %convert_element_type3A_216, %broadcast_in_dim3A_361 in 1 : vector<16x50xf32>, vector<16x78xf32> -> vector<16x128xf32>
    %swap3A_417 = arith.constant 8 : index
    %swap3A_418 = arith.constant 0 : index
    %swap3A_419 = arith.constant 0 : index
    %swap3A_420 = vector.load %arg2[%swap3A_417, %swap3A_418, %swap3A_419] : memref<16x16x128xf32, #tpu.memory_space<vmem>>, vector<1x16x128xf32>
    %swap3A_421 = vector.shape_cast %swap3A_420 : vector<1x16x128xf32> to vector<16x128xf32>
    %swap3A_422 = vector.shape_cast %concatenate3A_416 : vector<16x128xf32> to vector<1x16x128xf32>
    tpu.vector_store %arg2[%swap3A_417, %swap3A_418, %swap3A_419], %swap3A_422 {strides = array<i32>} : memref<16x16x128xf32, #tpu.memory_space<vmem>>, vector<1x16x128xf32>,
    %concatenate3A_423 = tpu.concatenate %convert_element_type3A_222, %broadcast_in_dim3A_361 in 1 : vector<16x50xf32>, vector<16x78xf32> -> vector<16x128xf32>
    %swap3A_424 = arith.constant 9 : index
    %swap3A_425 = arith.constant 0 : index
    %swap3A_426 = arith.constant 0 : index
    %swap3A_427 = vector.load %arg2[%swap3A_424, %swap3A_425, %swap3A_426] : memref<16x16x128xf32, #tpu.memory_space<vmem>>, vector<1x16x128xf32>
    %swap3A_428 = vector.shape_cast %swap3A_427 : vector<1x16x128xf32> to vector<16x128xf32>
    %swap3A_429 = vector.shape_cast %concatenate3A_423 : vector<16x128xf32> to vector<1x16x128xf32>
    tpu.vector_store %arg2[%swap3A_424, %swap3A_425, %swap3A_426], %swap3A_429 {strides = array<i32>} : memref<16x16x128xf32, #tpu.memory_space<vmem>>, vector<1x16x128xf32>,
    %concatenate3A_430 = tpu.concatenate %convert_element_type3A_228, %broadcast_in_dim3A_361 in 1 : vector<16x50xf32>, vector<16x78xf32> -> vector<16x128xf32>
    %swap3A_431 = arith.constant 10 : index
    %swap3A_432 = arith.constant 0 : index
    %swap3A_433 = arith.constant 0 : index
    %swap3A_434 = vector.load %arg2[%swap3A_431, %swap3A_432, %swap3A_433] : memref<16x16x128xf32, #tpu.memory_space<vmem>>, vector<1x16x128xf32>
    %swap3A_435 = vector.shape_cast %swap3A_434 : vector<1x16x128xf32> to vector<16x128xf32>
    %swap3A_436 = vector.shape_cast %concatenate3A_430 : vector<16x128xf32> to vector<1x16x128xf32>
    tpu.vector_store %arg2[%swap3A_431, %swap3A_432, %swap3A_433], %swap3A_436 {strides = array<i32>} : memref<16x16x128xf32, #tpu.memory_space<vmem>>, vector<1x16x128xf32>,
    %concatenate3A_437 = tpu.concatenate %add3A_357, %broadcast_in_dim3A_361 in 1 : vector<16x50xf32>, vector<16x78xf32> -> vector<16x128xf32>
    %swap3A_438 = arith.constant 11 : index
    %swap3A_439 = arith.constant 0 : index
    %swap3A_440 = arith.constant 0 : index
    %swap3A_441 = vector.load %arg2[%swap3A_438, %swap3A_439, %swap3A_440] : memref<16x16x128xf32, #tpu.memory_space<vmem>>, vector<1x16x128xf32>
    %swap3A_442 = vector.shape_cast %swap3A_441 : vector<1x16x128xf32> to vector<16x128xf32>
    %swap3A_443 = vector.shape_cast %concatenate3A_437 : vector<16x128xf32> to vector<1x16x128xf32>
    tpu.vector_store %arg2[%swap3A_438, %swap3A_439, %swap3A_440], %swap3A_443 {strides = array<i32>} : memref<16x16x128xf32, #tpu.memory_space<vmem>>, vector<1x16x128xf32>,
    %concatenate3A_444 = tpu.concatenate %convert_element_type3A_352, %broadcast_in_dim3A_361 in 1 : vector<16x50xf32>, vector<16x78xf32> -> vector<16x128xf32>
    %swap3A_445 = arith.constant 12 : index
    %swap3A_446 = arith.constant 0 : index
    %swap3A_447 = arith.constant 0 : index
    %swap3A_448 = vector.load %arg2[%swap3A_445, %swap3A_446, %swap3A_447] : memref<16x16x128xf32, #tpu.memory_space<vmem>>, vector<1x16x128xf32>
    %swap3A_449 = vector.shape_cast %swap3A_448 : vector<1x16x128xf32> to vector<16x128xf32>
    %swap3A_450 = vector.shape_cast %concatenate3A_444 : vector<16x128xf32> to vector<1x16x128xf32>
    tpu.vector_store %arg2[%swap3A_445, %swap3A_446, %swap3A_447], %swap3A_450 {strides = array<i32>} : memref<16x16x128xf32, #tpu.memory_space<vmem>>, vector<1x16x128xf32>,
    %concatenate3A_451 = tpu.concatenate %broadcast_in_dim3A_359, %broadcast_in_dim3A_361 in 1 : vector<16x50xf32>, vector<16x78xf32> -> vector<16x128xf32>
    %swap3A_452 = arith.constant 13 : index
    %swap3A_453 = arith.constant 0 : index
    %swap3A_454 = arith.constant 0 : index
    %swap3A_455 = vector.load %arg2[%swap3A_452, %swap3A_453, %swap3A_454] : memref<16x16x128xf32, #tpu.memory_space<vmem>>, vector<1x16x128xf32>
    %swap3A_456 = vector.shape_cast %swap3A_455 : vector<1x16x128xf32> to vector<16x128xf32>
    %swap3A_457 = vector.shape_cast %concatenate3A_451 : vector<16x128xf32> to vector<1x16x128xf32>
    tpu.vector_store %arg2[%swap3A_452, %swap3A_453, %swap3A_454], %swap3A_457 {strides = array<i32>} : memref<16x16x128xf32, #tpu.memory_space<vmem>>, vector<1x16x128xf32>,
    %concatenate3A_458 = tpu.concatenate %broadcast_in_dim3A_359, %broadcast_in_dim3A_361 in 1 : vector<16x50xf32>, vector<16x78xf32> -> vector<16x128xf32>
    %swap3A_459 = arith.constant 14 : index
    %swap3A_460 = arith.constant 0 : index
    %swap3A_461 = arith.constant 0 : index
    %swap3A_462 = vector.load %arg2[%swap3A_459, %swap3A_460, %swap3A_461] : memref<16x16x128xf32, #tpu.memory_space<vmem>>, vector<1x16x128xf32>
    %swap3A_463 = vector.shape_cast %swap3A_462 : vector<1x16x128xf32> to vector<16x128xf32>
    %swap3A_464 = vector.shape_cast %concatenate3A_458 : vector<16x128xf32> to vector<1x16x128xf32>
    tpu.vector_store %arg2[%swap3A_459, %swap3A_460, %swap3A_461], %swap3A_464 {strides = array<i32>} : memref<16x16x128xf32, #tpu.memory_space<vmem>>, vector<1x16x128xf32>,
    %concatenate3A_465 = tpu.concatenate %broadcast_in_dim3A_359, %broadcast_in_dim3A_361 in 1 : vector<16x50xf32>, vector<16x78xf32> -> vector<16x128xf32>
    %swap3A_466 = arith.constant 15 : index
    %swap3A_467 = arith.constant 0 : index
    %swap3A_468 = arith.constant 0 : index
    %swap3A_469 = vector.load %arg2[%swap3A_466, %swap3A_467, %swap3A_468] : memref<16x16x128xf32, #tpu.memory_space<vmem>>, vector<1x16x128xf32>
    %swap3A_470 = vector.shape_cast %swap3A_469 : vector<1x16x128xf32> to vector<16x128xf32>
    %swap3A_471 = vector.shape_cast %concatenate3A_465 : vector<16x128xf32> to vector<1x16x128xf32>
    tpu.vector_store %arg2[%swap3A_466, %swap3A_467, %swap3A_468], %swap3A_471 {strides = array<i32>} : memref<16x16x128xf32, #tpu.memory_space<vmem>>, vector<1x16x128xf32>,
    return
  }
}

</mosaic_0001>

<sc_bundles>
// kernel: kernel.5.cloned.1.call-start
scs
__scs_entry_jumppad:
0x0: {  	(pc) =	sbr.rel $0x88, $3  }
0x1: {  	(tag) =	ssettag $0x0;
	lr =	simm.s32 $0x1  }
0x2: {  	[smem:$0x3F9E] =	sst lr;
	_ =	strace $0xD0000000  }
0x3: {  	_ = 	snop  }
0x4: {  	_ = 	snop  }
0x5: {  	_ = 	snop  }
0x6: {  	_ = 	snop  }
0x7: {  	_ = 	snop  }
__scs_overlays_trampoline_lowered:
0x8: {  	[smem:$0x3FAD] =	sst s0  }
0x9: {  	[smem:$0x3FAE] =	sst s1  }
0xa: {  	[smem:$0x3FAF] =	sst s2  }
0xb: {  	[smem:$0x3FB0] =	sst s3  }
0xc: {  	[smem:$0x3FB1] =	sst s4  }
0xd: {  	[smem:$0x3FB2] =	sst s5  }
0xe: {  	[smem:$0x3FB3] =	sst s6  }
0xf: {  	[smem:$0x3FB4] =	sst s7  }
0x10: {  	[smem:$0x3FB5] =	sst s8  }
0x11: {  	[smem:$0x3FB6] =	sst s9;
	s0 =	simm.s32 @!p0 $0x0  }
0x12: {  	s1 =	sld [smem:$0x3F9C];
	s0 =	simm.s32 @p0 $0x1  }
0x13: {  	[smem:$0x3FB7] =	sst s0;
	s0 =	simm.s32 @!p1 $0x0  }
0x14: {  	s2 =	sld [smem:$0x3F9B];
	s0 =	simm.s32 @p1 $0x1  }
0x15: {  	[smem:$0x3FB8] =	sst s0;
	s0 =	simm.s32 @!p2 $0x0  }
0x16: {  	s3 =	sld [smem:$0x3FDB];
	s0 =	simm.s32 @p2 $0x1  }
0x17: {  	s4 =	simm.s32 $0x1BF5;
	[smem:$0x3FBA] =	sst s0  }
0x18: {  	s0 =	sld [smem:$0x3F9D];
	_ =	swait.ge [sflag:s4], $0x0  }
0x19: {  	s7 =	sld [smem:$0x3F9E]  }
0x1a: {  	s8 =	sadd.s32 $0xFFFFE003, lr  }
0x1b: {  	s9 =	sadd.s32 $0xFFFFFEF7, lr;
	s5 =	simm.s32 $0xFFFFFFFF;
	p2 =	slt.u32 s8, $0xFFFFF086  }
0x1c: {  	p1 =	slt.u32 s9, $0xF7A;
	s5 =	simm.s32 @!p2 $0x0  }
0x1d: {  	s5 =	simm.s32 @p1 $0x1;
	p0 =	seq.s32 s7, s2  }
0x1e: {  	s7 =	smul.u32 @!p0 $0xF7A, s2;
	p2 =	seq.s32 @!p0 s5, $0x0  }
0x1f: {  	s9 =	smul.u32 $0xF7A, s1;
	s8 =	simm.s32 @!p0 $0x1BF5;
	p2 =	por !p2, p0  }
0x20: {  	[sflag:s8] =	ssyncset.s32 @!p0 $0xFFFFF086;
	s6 =	sadd.s32 @!p0 s3, s7;
	s7 =	simm.s32 @!p0 $0x108  }
0x21: {  	s3 =	sadd.s32 s3, s9;
	s6 =	sadd.s32 @!p0 $0x88, s6;
	s7 =	simm.s32 @p2 $0x1082  }
0x22: {  	[simem:s7], [sflag:s8] =	dma.local @!p0 [hbm:s6], $0xF7A  }
0x23: {  	s9 =	sor.u32 $0xD0000000, s2;
	s6 =	simm.s32 $0x108;
	_ =	swait.ge @!p0 [sflag:s8], $0x0  }
0x24: {  	s3 =	sadd.s32 $0x88, s3;
	s6 =	simm.s32 @!p1 $0x1082;
	[sflag:s4] =	ssyncset.s32 $0xFFFFF086  }
0x25: {  	[simem:s6], [sflag:s4] =	dma.local [hbm:s3], $0xF7A  }
0x26: {  	[smem:$0x3F9E] =	sst s1;
	(tag) =	ssettag s2;
	_ =	strace s9  }
0x27: {  	s1 =	sld [smem:$0x3FAE]  }
0x28: {  	s2 =	sld [smem:$0x3FAF]  }
0x29: {  	s4 =	sld [smem:$0x3FB1]  }
0x2a: {  	p0 =	seq.s32 s5, $0x0;
	s5 =	sld [smem:$0x3FB2]  }
0x2b: {  	s6 =	sld [smem:$0x3FB3]  }
0x2c: {  	s7 =	sld [smem:$0x3FB4]  }
0x2d: {  	s3 =	simm.s32 $0x108;
	s8 =	sld [smem:$0x3FB5]  }
0x2e: {  	s3 =	simm.s32 @!p0 $0x1082;
	s9 =	sld [smem:$0x3FB6]  }
0x2f: {  	lr =	sadd.s32 s0, s3;
	s0 =	sld [smem:$0x3FAD]  }
0x30: {  	s3 =	sld [smem:$0x3FB0]  }
0x31: {  	[smem:$0x3FB9] =	sst s10  }
0x32: {  	s10 =	sld [smem:$0x3FB7];
	_ =	sdelay $0x3  }
0x33: {  	p0 =	seq.s32 s10, $0x1;
	s10 =	sld [smem:$0x3FB9];
	_ =	sdelay $0x3  }
0x34: {  	[smem:$0x3FB9] =	sst s10  }
0x35: {  	s10 =	sld [smem:$0x3FB8];
	_ =	sdelay $0x3  }
0x36: {  	p1 =	seq.s32 s10, $0x1;
	s10 =	sld [smem:$0x3FB9];
	_ =	sdelay $0x3  }
0x37: {  	[smem:$0x3FB9] =	sst s10  }
0x38: {  	s10 =	sld [smem:$0x3FBA]  }
0x39: {  	_ = 	snop;
	(pc) =	sbr.ind lr, $3  }
0x3a: {  	_ = 	snop  }
0x3b: {  	_ = 	snop  }
0x3c: {  	p2 =	seq.s32 s10, $0x1;
	s10 =	sld [smem:$0x3FB9]  }
0x3d: {  	_ =	shalt  }
0x3e: {  	_ =	shalt  }
0x3f: {  	_ =	shalt  }
0x40: {  	_ =	shalt  }
0x41: {  	_ =	shalt  }
0x42: {  	_ =	shalt  }
0x43: {  	_ =	shalt  }
0x44: {  	_ =	shalt  }
0x45: {  	_ =	shalt  }
0x46: {  	_ =	shalt  }
0x47: {  	_ =	shalt  }
0x48: {  	_ =	shalt  }
0x49: {  	_ =	shalt  }
0x4a: {  	_ =	shalt  }
0x4b: {  	_ =	shalt  }
0x4c: {  	_ =	shalt  }
0x4d: {  	_ =	shalt  }
0x4e: {  	_ =	shalt  }
0x4f: {  	_ =	shalt  }
0x50: {  	_ =	shalt  }
0x51: {  	_ =	shalt  }
0x52: {  	_ =	shalt  }
0x53: {  	_ =	shalt  }
0x54: {  	_ =	shalt  }
0x55: {  	_ =	shalt  }
0x56: {  	_ =	shalt  }
0x57: {  	_ =	shalt  }
0x58: {  	_ =	shalt  }
0x59: {  	_ =	shalt  }
0x5a: {  	_ =	shalt  }
0x5b: {  	_ =	shalt  }
0x5c: {  	_ =	shalt  }
0x5d: {  	_ =	shalt  }
0x5e: {  	_ =	shalt  }
0x5f: {  	_ =	shalt  }
0x60: {  	_ =	shalt  }
0x61: {  	_ =	shalt  }
0x62: {  	_ =	shalt  }
0x63: {  	_ =	shalt  }
0x64: {  	_ =	shalt  }
0x65: {  	_ =	shalt  }
0x66: {  	_ =	shalt  }
0x67: {  	_ =	shalt  }
0x68: {  	_ =	shalt  }
0x69: {  	_ =	shalt  }
0x6a: {  	_ =	shalt  }
0x6b: {  	_ =	shalt  }
0x6c: {  	_ =	shalt  }
0x6d: {  	_ =	shalt  }
0x6e: {  	_ =	shalt  }
0x6f: {  	_ =	shalt  }
0x70: {  	_ =	shalt  }
0x71: {  	_ =	shalt  }
0x72: {  	_ =	shalt  }
0x73: {  	_ =	shalt  }
0x74: {  	_ =	shalt  }
0x75: {  	_ =	shalt  }
0x76: {  	_ =	shalt  }
0x77: {  	_ =	shalt  }
0x78: {  	_ =	shalt  }
0x79: {  	_ =	shalt  }
0x7a: {  	_ =	shalt  }
0x7b: {  	_ =	shalt  }
0x7c: {  	_ =	shalt  }
0x7d: {  	_ =	shalt  }
0x7e: {  	_ =	shalt  }
0x7f: {  	_ =	shalt  }
0x80: {  	_ =	shalt  }
0x81: {  	_ =	shalt  }
0x82: {  	_ =	shalt  }
0x83: {  	_ =	shalt  }
0x84: {  	_ =	shalt  }
0x85: {  	_ =	shalt  }
0x86: {  	_ =	shalt  }
0x87: {  	_ =	shalt  }
.Lfunc_end0:
.L_simem_size_0:
called_computation_lowered:
.L_overlay_start_0:
0x88: {  	s2 =	sld [smem:$0x3FD9]  }
0x89: {  	s3 =	sld [smem:$0x3FFE];
	_ =	sdelay $0x1  }
0x8a: {  	s1 =	srdreg.scid  }
0x8b: {  	s0 =	sand.u32 $0x1, s1  }
0x8c: {  	s16 =	sshll.u32 s0, $0xA;
	s2 =	sadd.s32 s3, s2  }
0x8d: {  	s2 =	sadd.s32 s2, s16  }
0x8e: {  	[smem:$0x3FC5] =	sst s2  }
0x8f: {  	_ = 	snop  }
0x90: {  	(tm) =	ssettm $0x1  }
0x91: {  	s17 =	sld [smem:$0x3FFB];
	_ =	sdelay $0x3  }
0x92: {  	_ =	strace s17  }
0x93: {  	s2 =	sld [smem:$0x3FFC];
	_ =	sdelay $0x3  }
0x94: {  	_ =	strace s2  }
0x95: {  	s2 =	sld [smem:$0x3FFD];
	_ =	sdelay $0x3  }
0x96: {  	_ =	strace s2  }
0x97: {  	_ =	strace $0x8FFFFFFF  }
0x98: {  	s18 =	sld [smem:$0x3FDB];
	_ =	sdelay $0x1  }
0x99: {  	s19 =	simm.s32 $_scs_section_size  }
0x9a: {  	s4 =	simm.s32 $_size__tile_overlayer_lowered;
	s5 =	simm.s32 $_tile_overlayer_lowered  }
0x9b: {  	s22 =	simm.s32 $0x1BFF;
	s21 =	sshll.u32 s5, $0x1;
	s2 =	sadd.s32 s19, s18  }
0x9c: {  	s6 =	simm.s32 $0x0;
	s20 =	sshll.u32 s4, $0x1;
	s4 =	sadd.s32 s21, s2  }
0x9d: {  	[timem:s6], [sflag:s22] =	dma.local [hbm:s4], s20  }
0x9e: {  	_ =	swait.ge [sflag:s22], s20  }
0x9f: {  	s3 =	ssub.s32 $0x0, s20;
	[sflag:s22] =	ssyncset.done $0x0  }
0xa0: {  	[sflag:s22] =	ssyncadd.s32 s3;
	_ =	sdelay $0x1  }
0xa1: {  	s23 =	simm.s32 $0x1B8B  }
0xa2: {  	_ =	swait.ge [sflag:s23], $0x1  }
0xa3: {  	[sflag:s23] =	ssyncset.done $0x0  }
0xa4: {  	s25 =	simm.s32 $0x1B8E;
	s24 =	sld [smem:$0x3FFE];
	[sflag:s23] =	ssyncadd.s32 $0xFFFFFFFF  }
0xa5: {  	s26 =	simm.s32 $execute0_lowered;
	[smem:$0x3FD2] =	sst s25  }
0xa6: {  	s4 =	sshll.u32 s26, $0x1;
	_ =	strace $0x80000046;
	[dreg:$0x1] =	wrdreg $0xFFFFFFFF  }
0xa7: {  	s28 =	simm.s32 $_size_execute0_lowered;
	s2 =	sadd.s32 s2, s4;
	[dreg:$0x0] =	wrdreg $0x0  }
0xa8: {  	s4 =	sshll.u32 s28, $0x1;
	[dreg:$0x2] =	wrdreg s2  }
0xa9: {  	[dreg:$0x3] =	wrdreg s4  }
0xaa: {  	[dreg:$0x4] =	wrdreg $0xC0  }
0xab: {  	_ =	task [dreg:s6], $0x5FFFF  }
0xac: {  	[dreg:$0x1] =	wrdreg $0xFFFFFFFF  }
0xad: {  	[dreg:$0x0] =	wrdreg $0x60  }
0xae: {  	[dreg:$0x2] =	wrdreg s24  }
0xaf: {  	[dreg:$0x3] =	wrdreg $0x9  }
0xb0: {  	_ =	task.clear_ibuf [dreg:s6], $0x4FFFF;
	_ =	strace $0x90000046  }
0xb1: {  	s29 =	simm.s32 $0x9;
	_ =	strace $0x80000048  }
0xb2: {  	_ =	swait.ge [sflag:s29], $0x1  }
0xb3: {  	[sflag:s29] =	ssyncadd.s32 $0xFFFFFFFF  }
0xb4: {  	_ =	strace $0x90000048  }
0xb5: {  	_ =	sfence  }
0xb6: {  	s30 =	sld [smem:$0x0];
	_ =	sdelay $0x2  }
0xb7: {  	s31 =	sshll.u32 s1, $0xD;
	s1 =	sshrl.u32 s1, $0x2  }
0xb8: {  	s3 =	sand.u32 $0x4000, s31;
	s1 =	sadd.s32 s1, s30  }
0xb9: {  	s0 =	sor.u32 s3, s0;
	s1 =	sshll.u32 s1, $0x11  }
0xba: {  	s0 =	sor.u32 s1, s0  }
0xbb: {  	s0 =	sadd.s32 $0x8F2B, s0  }
0xbc: {  	[sflag:s0] =	ssyncadd.remote.s32 $0x1  }
0xbd: {  	_ =	sfence.sel $0xFFFF  }
0xbe: {  	[dreg:$0x0] =	wrdreg $0xFFFFFFFF;
	(pc) =	sbr.abs _section_cstart, $3  }
0xbf: {  	[dreg:$0x1] =	wrdreg $0xFFFFFFFF  }
0xc0: {  	_ =	task.clear_ibuf [dreg:s6], $0x2FFFF;
	_ =	strace $0x9FFFFFFF  }
0xc1: {  	(tm) =	ssettm $0x7FFFFFFF  }
tec
execute0_lowered:
.L_overlay_start_1:
0x0: {  	(tag) =	ssettag $0x1  }
0x1: {  	s1 =	srdreg.scid  }
0x2: {  	s1 =	sand.u32 $0x1, s1  }
0x3: {  	p0 =	seq.s32 s1, $0x1  }
.Ltmp0:
0x4: {  	_ = 	snop;
	(pc) =	sbr.rel @p0 .LBB2_6-.Ltmp0, $4  }
0x5: {  	_ = 	snop  }
0x6: {  	s2 =	rddreg [dreg:$0x0];
	s3 =	simm.s32 $0x0  }
0x7: {  	[smem:$0x7FF] =	sst s3  }
0x8: {  	s0 =	rddreg [dreg:$0x1];
	_ =	strace $0x80000047;
	s1 =	stileid.u32  }
0x9: {  	s4 =	sadd.s32 $0x800, s2  }
0xa: {  	s5 =	sshll.u32 s1, $0x4;
	s28 =	simm.s32 $0x80;
	s6 =	simm.s32 $0x800  }
0xb: {  	s29 =	smul.u32 $0x1180, s1;
	s30 =	simm.s32 $0x1;
	s4 =	sadd.s32 s4, s5  }
0xc: {  	[tilespmem:s3], [sflag:$0x1] =	stream.strided.gather [hbm4b:s4+s28], $0x800, s6, s28, $0x38;
	[tilespmem:$0x9400] =	vst v63  }
0xd: {  	_ =	swait.ge [sflag:s30], $0x800  }
0xe: {  	s31 =	sadd.s32 s29, s2;
	s4 =	simm.s32 $0x0;
	[sflag:s30] =	ssyncset.done $0x0  }
0xf: {  	v1 =	vimm.f32 $0.0e+00;
	s3 =	simm.s32 $0x200;
	s2 =	sadd.s32 $0x1800, s31;
	[sflag:s30] =	ssyncadd.s32 $0xFFFFF800  }
.LBB2_2:
0x10: {  	p0 =	sne.s32 s3, $0x22E00;
	[tilespmem:s4+$0x870] =	vst v1  }
0x11: {  	[tilespmem:s4+$0x800] =	vst v1  }
0x12: {  	[tilespmem:s4+$0x810] =	vst v1  }
.Ltmp1:
0x13: {  	[tilespmem:s4+$0x820] =	vst v1;
	(pc) =	sbr.rel @p0 .LBB2_2-.Ltmp1, $4  }
0x14: {  	[tilespmem:s4+$0x830] =	vst v1  }
0x15: {  	[tilespmem:s4+$0x840] =	vst v1  }
0x16: {  	[tilespmem:s4+$0x850] =	vst v1  }
0x17: {  	[tilespmem:s4+$0x860] =	vst v1;
	s4 =	sshra.s32 s3, $0x2;
	s3 =	sadd.s32 $0x200, s3  }
0x18: {  	s3 =	simm.s32 $0x0  }
0x19: {  	v0 =	vmov s3  }
0x1a: {  	[tilespmem:s4+$0x870] =	vst v1;
	v2 =	vlaneseq.u32;
	v3 =	vand.u32 $0x7F, v0  }
0x1b: {  	[tilespmem:s4+$0x800] =	vst v1;
	v0 =	vmul.u32 $0x80, v2;
	v3 =	vbroadcast v3, $0x0  }
0x1c: {  	[tilespmem:s4+$0x810] =	vst v1  }
0x1d: {  	[tilespmem:s4+$0x820] =	vst v1;
	v3 =	vor.u32 v0, v3  }
0x1e: {  	[tilespmem:s4+$0x830] =	vst v1  }
0x1f: {  	[tilespmem:s4+$0x840] =	vst v1  }
0x20: {  	[tilespmem:s4+$0x850] =	vst v1  }
0x21: {  	[tilespmem:s4+$0x860] =	vst v1  }
0x22: {  	v4 =	vld.idx.msk [tilespmem:v3+s3+$0x0], $0xffff;
	_ =	sdelay $0x4  }
0x23: {  	(v2sf) =	vpush v4, $0xB  }
0x24: {  	(v2sf) =	vpush v4, $0xC;
	_ =	sdelay $0xa  }
0x25: {  	v3 =	vimm.s32 $0x0;
	vm2 =	vgt.f32 v4, $0.0e+00  }
0x26: {  	v1 =	vsel vm2, $0x1, v3  }
0x27: {  	v5 =	vmul.u32 $0x1C00, v2;
	v6 =	vbroadcast v1, $0x0  }
0x28: {  	vm0 =	vmmov $0x3f;
	vm1 =	vcmask $0x2B18;
	s31 =	spop (v2sf)  }
0x29: {  	s5 =	simm.s32 $0x1;
	v1 =	vmul.u32 $0x400, v2;
	v2 =	vadd.s32 $0xFFFF7000, v5;
	v5 =	vand.u32 $0x1, v6;
	s7 =	scvt.f32.s32 s31;
	s6 =	spop (v2sf)  }
0x2a: {  	vm2 =	vmand vm2, vm1;
	v6 =	vmov s5;
	vm3 =	veq.s32 v5, $0x1;
	s6 =	scvt.f32.s32 s6  }
0x2b: {  	s4 =	simm.s32 $0x800;
	s5 =	simm.s32 $0x2;
	v5 =	vand.u32 $0x7F, v6;
	vm3 =	vmand vm3, vm0;
	v6 =	vadd.s32 s7, v1  }
.LBB2_4:
0x2c: {  	p0 =	sne.s32 s5, $0x31;
	v5 =	vbroadcast v5, $0x0;
	v6 =	vnsel vm3, $0x0, v6;
	v7 =	vadd.s32 s6, v2  }
0x2d: {  	v7 =	vnsel vm2, $0x0, v7  }
0x2e: {  	v5 =	vor.u32 v0, v5;
	_ =	sdelay $0x2  }
0x2f: {  	[tilespmem:v6+s4+$0x0] =	vst.idx.msk vm3, v4  }
0x30: {  	[tilespmem:v7+s4+$0x0] =	vst.idx.msk vm2, v4  }
0x31: {  	v4 =	vld.idx.msk [tilespmem:v5+s3+$0x0], $0xffff;
	_ =	sdelay $0x5  }
0x32: {  	(v2sf) =	vpush v4, $0xB  }
0x33: {  	(v2sf) =	vpush v4, $0xC;
	_ =	sdelay $0xa  }
0x34: {  	vm2 =	vgt.f32 v4, $0.0e+00  }
0x35: {  	v5 =	vsel vm2, $0x1, v3;
	vm2 =	vmand vm2, vm1  }
.Ltmp2:
0x36: {  	v5 =	vbroadcast v5, $0x0;
	(pc) =	sbr.rel @p0 .LBB2_4-.Ltmp2, $4  }
0x37: {  	s6 =	spop (v2sf)  }
0x38: {  	v5 =	vand.u32 $0x1, v5;
	s7 =	scvt.f32.s32 s6;
	s6 =	spop (v2sf)  }
0x39: {  	v6 =	vmov s5;
	vm3 =	veq.s32 v5, $0x1;
	s6 =	scvt.f32.s32 s6  }
0x3a: {  	s5 =	sadd.s32 $0x1, s5;
	v5 =	vand.u32 $0x7F, v6;
	vm3 =	vmand vm3, vm0;
	v6 =	vadd.s32 s7, v1  }
0x3b: {  	v5 =	vbroadcast v5, $0x0;
	v6 =	vnsel vm3, $0x0, v6;
	v7 =	vadd.s32 s6, v2  }
0x3c: {  	v7 =	vnsel vm2, $0x0, v7  }
0x3d: {  	v0 =	vor.u32 v0, v5;
	_ =	sdelay $0x2  }
0x3e: {  	[tilespmem:v6+s4+$0x0] =	vst.idx.msk vm3, v4  }
0x3f: {  	[tilespmem:v7+s4+$0x0] =	vst.idx.msk vm2, v4  }
0x40: {  	v0 =	vld.idx.msk [tilespmem:v0+s3+$0x0], $0xffff;
	_ =	sdelay $0x4  }
0x41: {  	(v2sf) =	vpush v0, $0xB  }
0x42: {  	(v2sf) =	vpush v0, $0xC;
	_ =	sdelay $0xa  }
0x43: {  	vm14 =	vgt.f32 v0, $0.0e+00  }
0x44: {  	v3 =	vsel vm14, $0x1, v3  }
0x45: {  	v3 =	vbroadcast v3, $0x0  }
0x46: {  	s28 =	spop (v2sf)  }
0x47: {  	v3 =	vand.u32 $0x1, v3;
	s3 =	scvt.f32.s32 s28;
	s5 =	spop (v2sf)  }
0x48: {  	vm15 =	veq.s32 v3, $0x1;
	s5 =	scvt.f32.s32 s5  }
0x49: {  	vm0 =	vmand vm15, vm0;
	v1 =	vadd.s32 s3, v1  }
0x4a: {  	vm1 =	vmand vm14, vm1;
	v1 =	vnsel vm0, $0x0, v1;
	v63 =	vadd.s32 s5, v2  }
0x4b: {  	v2 =	vnsel vm1, $0x0, v63;
	_ =	sdelay $0x3  }
0x4c: {  	[tilespmem:v1+s4+$0x0] =	vst.idx.msk vm0, v0  }
0x4d: {  	s29 =	simm.s32 $0x0;
	s30 =	simm.s32 $0x800;
	s31 =	simm.s32 $0x1;
	[tilespmem:v2+s4+$0x0] =	vst.idx.msk vm1, v0  }
0x4e: {  	[hbm4b:s2+s29] =	stream.linear.scatter [tilespmem:s30], [sflag:$0x1], $0x8C00, $0x38;
	[tilespmem:$0x9400] =	vst v63  }
0x4f: {  	_ =	swait.ge [sflag:s31], $0x8C00  }
0x50: {  	[sflag:s31] =	ssyncset.done $0x0  }
0x51: {  	[sflag:s31] =	ssyncadd.s32 $0xFFFF7400  }
.LBB2_6:
0x52: {  	_ =	sfence.sel $0x180000  }
0x53: {  	[bflag:$0x0] =	sbarrier.arrive $0xFFFF  }
0x54: {  	p0 =	sne.s32 s1, $0x0;
	_ =	strace $0x90000047  }
0x55: {  	s0 =	sadd.s32 @!p0 $0x100000, s0;
	[bflag:$0x2] =	sbarrier.arrive $0xFFFF  }
0x56: {  	[sflag:s0] =	ssyncadd.tile.s32 @!p0 $0x1;
	_ =	shalt  }
.Lfunc_end2:
_tile_overlayer_lowered:
.L_overlay_start_2:
0x57: {  	(tag) =	ssettag $0x2  }
0x58: {  	s0 =	rddreg [dreg:$0x0];
	s2 =	stileid.u32  }
0x59: {  	s1 =	rddreg [dreg:$0x1];
	p0 =	sne.s32 s2, $0x0  }
0x5a: {  	s3 =	rddreg [dreg:$0x2];
	[bflag:$0x3] =	sbarrier.arrive $0xFFFF;
	s2 =	simm.s32 @!p0 $0x1C01  }
0x5b: {  	[timem:s3], [sflag:s2] =	dma.local @!p0 [hbm:s0], s1  }
0x5c: {  	s0 =	simm.s32 @!p0 $0x1  }
0x5d: {  	_ =	swait.ge @!p0 [sflag:s0], s1  }
0x5e: {  	s1 =	ssub.s32 @!p0 $0x0, s1;
	[sflag:s0] =	ssyncset.done @!p0 $0x0  }
0x5f: {  	[sflag:s0] =	ssyncadd.s32 @!p0 s1  }
0x60: {  	[bflag:$0x3] =	sbarrier.arrive $0xFFFF  }
0x61: {  	_ =	shalt  }

</sc_bundles>
